<compile_context>
chip_gen: v7x
topology: tpu7x:2x2x1
jax: 0.10.2.dev20260603
libtpu: 0.0.44.dev20260713+nightly
codegen_flags: <defaults>
</compile_context>

<pallas_src>
import functools

import jax
import jax.numpy as jnp
from jax import lax
from jax.experimental import pallas as pl
from jax.experimental.pallas import tpu as pltpu
from jax.experimental.pallas import tpu_sc as plsc

CHAR_VOCAB = 1000
V_PAD = 1024
WORD_LEN = 16
D_WORD = 128
N_NODES = 16384
NC, NS = 2, 16
NW = NC * NS
G = 4
NPG = N_NODES // G
PPW = NPG // NW
NODES_PER_W = PPW * G
CHUNK_P = 32
NBP = 512


def _table_body(ct_ref, we_ref, be_ref, wc_ref, c_ref):
    e = jnp.dot(ct_ref[...], we_ref[...], preferred_element_type=jnp.float32)
    e = jnp.maximum(e + be_ref[...][None, :], 0.0)
    row = lax.broadcasted_iota(jnp.int32, (V_PAD, 1), 0)
    e = jnp.where(row == 1, 0.0, e)
    c = jnp.dot(e, wc_ref[...], preferred_element_type=jnp.float32)
    c_ref[...] = c.astype(jnp.bfloat16)


def _comp_table(ct_pad, W_enc, b_enc, W_comp):
    return pl.pallas_call(
        _table_body,
        out_shape=jax.ShapeDtypeStruct((V_PAD, D_WORD), jnp.bfloat16),
    )(ct_pad, W_enc, b_enc, W_comp)


def _sc_counts_body(tok_hbm, ids_hbm, cnt_hbm, idx_v, rows_v, buf_a, buf_b,
                    sem_g, sem_a, sem_b):
    wid = lax.axis_index("s") * NC + lax.axis_index("c")
    base_p = wid * PPW
    for g in range(G):
        pltpu.sync_copy(ids_hbm.at[pl.ds(g * NPG + base_p, PPW)],
                        idx_v.at[pl.ds(g * PPW, PPW)])
    for g in range(G):
        pltpu.async_copy(
            tok_hbm.at[idx_v.at[pl.ds(g * PPW, PPW)]],
            rows_v.at[pl.ds(g * PPW, PPW)],
            sem_g,
        ).wait()

    zeros16 = jnp.zeros((16,), jnp.float32)
    weights = [jnp.full((16,), float(64 ** g), jnp.float32) for g in range(G)]

    def _zero_vec(i, _):
        off = pl.multiple_of(i * 16, 16)
        buf_a[pl.ds(off, 16)] = zeros16
        buf_b[pl.ds(off, 16)] = zeros16
        return 0

    lax.fori_loop(0, CHUNK_P * V_PAD // 16, _zero_vec, 0)

    n_chunks = PPW // CHUNK_P
    handles = [None, None]
    for k in range(n_chunks):
        b = k % 2
        buf, sem = (buf_a, sem_a) if b == 0 else (buf_b, sem_b)
        if handles[b] is not None:
            handles[b].wait()

            def _rezero(r, _):
                for g in range(G):
                    toks = rows_v[g * PPW + (k - 2) * CHUNK_P + r, :]
                    plsc.store_scatter(buf, [r * V_PAD + toks], zeros16)
                return 0

            lax.fori_loop(0, CHUNK_P, _rezero, 0)

        def _accum(r, _):
            for g in range(G):
                toks = rows_v[g * PPW + k * CHUNK_P + r, :]
                plsc.addupdate_scatter(buf, [r * V_PAD + toks], weights[g])
            return 0

        lax.fori_loop(0, CHUNK_P, _accum, 0)
        handles[b] = pltpu.async_copy(
            buf,
            cnt_hbm.at[pl.ds((base_p + k * CHUNK_P) * V_PAD, CHUNK_P * V_PAD)],
            sem)
    for h in handles:
        if h is not None:
            h.wait()


def _sc_counts(tokens, lookup_ids):
    mesh = plsc.VectorSubcoreMesh(core_axis_name="c", subcore_axis_name="s")
    f = functools.partial(
        pl.kernel,
        mesh=mesh,
        compiler_params=pltpu.CompilerParams(
            use_tc_tiling_on_sc=False, needs_layout_passes=False),
        out_type=jax.ShapeDtypeStruct((NPG * V_PAD,), jnp.float32),
        scratch_types=[
            pltpu.VMEM((NODES_PER_W,), jnp.int32),
            pltpu.VMEM((NODES_PER_W, WORD_LEN), jnp.int32),
            pltpu.VMEM((CHUNK_P * V_PAD,), jnp.float32),
            pltpu.VMEM((CHUNK_P * V_PAD,), jnp.float32),
            pltpu.SemaphoreType.DMA,
            pltpu.SemaphoreType.DMA,
            pltpu.SemaphoreType.DMA,
        ],
    )(_sc_counts_body)
    return f(tokens, lookup_ids)


def _pool_body(cnt_ref, c_ref, bc_ref, out_ref):
    x = cnt_ref[...].reshape(NBP, V_PAD)
    inv64 = jnp.float32(1.0 / 64.0)
    h1 = jnp.floor(x * inv64)
    c0 = x - 64.0 * h1
    h2 = jnp.floor(h1 * inv64)
    c1 = h1 - 64.0 * h2
    h3 = jnp.floor(h2 * inv64)
    c2 = h2 - 64.0 * h3
    c3 = h3
    cmat = c_ref[...]
    bias = bc_ref[...][None, :]
    for g, cg in enumerate((c0, c1, c2, c3)):
        npad = cg[:, 1:2]
        scale = 1.0 / jnp.maximum(16.0 - npad, 1.0)
        acc = jnp.dot(cg.astype(jnp.bfloat16), cmat,
                      preferred_element_type=jnp.float32)
        out_ref[g] = acc * scale + bias


def _pool(counts, C, b_comp):
    return pl.pallas_call(
        _pool_body,
        grid=(NPG // NBP,),
        in_specs=[
            pl.BlockSpec((NBP * V_PAD,), lambda i: (i,)),
            pl.BlockSpec((V_PAD, D_WORD), lambda i: (0, 0)),
            pl.BlockSpec((D_WORD,), lambda i: (0,)),
        ],
        out_specs=pl.BlockSpec((G, NBP, D_WORD), lambda i: (0, i, 0)),
        out_shape=jax.ShapeDtypeStruct((G, NPG, D_WORD), jnp.float32),
    )(counts, C, b_comp)


def kernel(distinct_word_tokens, lookup_ids, char_table, W_enc, b_enc, W_comp, b_comp):
    ct_pad = jnp.pad(char_table, ((0, V_PAD - CHAR_VOCAB), (0, 0)))
    C = _comp_table(ct_pad, W_enc, b_enc, W_comp)
    counts = _sc_counts(distinct_word_tokens, lookup_ids)
    out3 = _pool(counts, C, b_comp)
    return out3.reshape(N_NODES, D_WORD)

# --- scband reference (transcript-rebuilt; emitter-appended) ---
"""Pipeline reference for scband-agent-model-274877907638 (READ-ONLY COPY).

The authoritative reference and input builder live on the scoring server;
editing this copy changes nothing except your own understanding.
"""

import jax, jax.numpy as jnp
import numpy as np

CHAR_VOCAB = 1000
D_WORDS = 50000
WORD_LEN = 16
D_CHAR = 64
D_WORD = 128
N_NODES = 16384


def setup_inputs(seed: int = 0) -> dict:
    key = jax.random.key(seed)
    k1, k2, k3, k4, k5, k6, k7 = jax.random.split(key, 7)
    distinct_word_tokens = jax.random.randint(k1, (D_WORDS, WORD_LEN), 0, CHAR_VOCAB, dtype=jnp.int64 if jax.config.jax_enable_x64 else jnp.int32).astype(jnp.int32)
    lookup_ids = jax.random.randint(k2, (N_NODES,), 0, D_WORDS).astype(jnp.int32)
    char_table = jax.random.normal(k3, (CHAR_VOCAB, D_CHAR), dtype=jnp.float32) * 0.02
    W_enc = jax.random.normal(k4, (D_CHAR, D_CHAR), dtype=jnp.float32) * (1.0 / np.sqrt(D_CHAR))
    b_enc = jnp.zeros((D_CHAR,), dtype=jnp.float32)
    W_comp = jax.random.normal(k5, (D_CHAR, D_WORD), dtype=jnp.float32) * (1.0 / np.sqrt(D_CHAR))
    b_comp = jnp.zeros((D_WORD,), dtype=jnp.float32)
    return {
        'distinct_word_tokens': distinct_word_tokens,
        'lookup_ids': lookup_ids,
        'char_table': char_table,
        'W_enc': W_enc,
        'b_enc': b_enc,
        'W_comp': W_comp,
        'b_comp': b_comp,
    }


def reference(distinct_word_tokens, lookup_ids, char_table, W_enc, b_enc, W_comp, b_comp):
    # mask: token id 1 is the pad token (as in original: local_char_embedding_matrix == 1)
    mask = (distinct_word_tokens == 1)  # [D, L] bool
    # char embedding gather: nn.Embedding lookup
    char_emb = jnp.take(char_table, distinct_word_tokens, axis=0)  # [D, L, d_char]
    # encoder: per-position dense + relu, masked positions zeroed
    enc = jax.nn.relu(jnp.einsum('dlc,ce->dle', char_emb, W_enc) + b_enc)  # [D, L, d_char]
    enc = jnp.where(mask[..., None], 0.0, enc)
    # compressor: masked mean pool over char positions, then project to word dim
    denom = jnp.clip(jnp.sum(~mask, axis=1, keepdims=True).astype(jnp.float32), 1.0, None)  # [D,1]
    pooled = jnp.sum(enc, axis=1) / denom  # [D, d_char]
    word_embedding_matrix = pooled @ W_comp + b_comp  # [D, d_word]
    # index_select: gather per-node word vectors
    all_word_vectors = jnp.take(word_embedding_matrix, lookup_ids, axis=0)  # [N, d_word]
    return all_word_vectors

if __name__ == "__main__":
    import jax
    _d = setup_inputs()
    print(jax.jit(kernel)(*tuple(_d.values())))

</pallas_src>

<mosaic_0001>
#map = affine_map<(d0, d1) -> (0, 0)>
#map1 = affine_map<(d0, d1) -> (0)>
module attributes {stable_mosaic.version = 14 : i64} {
  func.func @_sc_counts_body(%arg0: i32, %arg1: i32, %arg2: memref<50000x16xi32, #tpu.memory_space<hbm>>, %arg3: memref<16384xi32, #tpu.memory_space<hbm>>, %arg4: memref<4194304xf32, #tpu.memory_space<hbm>>, %arg5: memref<512xi32, #tpu.memory_space<vmem>>, %arg6: memref<512x16xi32, #tpu.memory_space<vmem>>, %arg7: memref<32768xf32, #tpu.memory_space<vmem>>, %arg8: memref<32768xf32, #tpu.memory_space<vmem>>, %arg9: memref<!tpu.dma_semaphore, #tpu.memory_space<semaphore_mem>>, %arg10: memref<!tpu.dma_semaphore, #tpu.memory_space<semaphore_mem>>, %arg11: memref<!tpu.dma_semaphore, #tpu.memory_space<semaphore_mem>>) attributes {dimension_semantics = [#tpu.dimension_semantics<core_parallel>, #tpu.dimension_semantics<subcore_parallel>], iteration_bounds = array<i64: 2, 16>, scalar_prefetch = 0 : i64, scratch_operands = 7 : i64, tpu.core_type = #tpu.core_type<sc_vector_subcore>, window_params = [{transform_indices = #map}, {transform_indices = #map1}, {transform_indices = #map1}]} {
    %mul3A = arith.constant 2 : i32
    %mul3A_0 = arith.muli %arg1, %mul3A : i32
    %add3A = arith.addi %mul3A_0, %arg0 : i32
    %mul3A_1 = arith.constant 128 : i32
    %mul3A_2 = arith.muli %add3A, %mul3A_1 : i32
    %add3A_3 = arith.constant 0 : i32
    %add3A_4 = arith.addi %add3A_3, %mul3A_2 : i32
    "tpu.region"() ({
      %run_scoped3A = tpu.sem_alloc : memref<!tpu.dma_semaphore, #tpu.memory_space<semaphore_mem>>
      %dma_start3A_162 = arith.constant 0 : i32
      %dma_start3A_163 = tpu.memref_slice %arg5[%dma_start3A_162] : memref<512xi32, #tpu.memory_space<vmem>> -> memref<128xi32, #tpu.memory_space<vmem>>
      %dma_start3A_164 = tpu.memref_slice %arg3[%add3A_4] : memref<16384xi32, #tpu.memory_space<hbm>> -> memref<128xi32, #tpu.memory_space<hbm>>
      %dma_start3A_165 = arith.constant 0 : i32
      %dma_start3A_166 = tpu.memref_slice %arg5[%dma_start3A_165] : memref<512xi32, #tpu.memory_space<vmem>> -> memref<128xi32, #tpu.memory_space<vmem>>
      %dma_start3A_167 = tpu.memref_slice %arg3[%add3A_4] : memref<16384xi32, #tpu.memory_space<hbm>> -> memref<128xi32, #tpu.memory_space<hbm>>
      tpu.enqueue_dma source(%dma_start3A_167 : memref<128xi32, #tpu.memory_space<hbm>>) target(%dma_start3A_166 : memref<128xi32, #tpu.memory_space<vmem>>) target_semaphore(%run_scoped3A : memref<!tpu.dma_semaphore, #tpu.memory_space<semaphore_mem>>)
      %dma_wait3A_168 = arith.constant 0 : i32
      %dma_wait3A_169 = tpu.memref_slice %arg5[%dma_wait3A_168] : memref<512xi32, #tpu.memory_space<vmem>> -> memref<128xi32, #tpu.memory_space<vmem>>
      %dma_wait3A_170 = tpu.memref_slice %arg3[%add3A_4] : memref<16384xi32, #tpu.memory_space<hbm>> -> memref<128xi32, #tpu.memory_space<hbm>>
      %dma_wait3A_171 = arith.constant 0 : i32
      %dma_wait3A_172 = tpu.memref_slice %arg5[%dma_wait3A_171] : memref<512xi32, #tpu.memory_space<vmem>> -> memref<128xi32, #tpu.memory_space<vmem>>
      %dma_wait3A_173 = tpu.memref_slice %arg3[%add3A_4] : memref<16384xi32, #tpu.memory_space<hbm>> -> memref<128xi32, #tpu.memory_space<hbm>>
      tpu.wait_dma2 semaphore(%run_scoped3A : memref<!tpu.dma_semaphore, #tpu.memory_space<semaphore_mem>>) src(%dma_wait3A_173 : memref<128xi32, #tpu.memory_space<hbm>>) dst(%dma_wait3A_172 : memref<128xi32, #tpu.memory_space<vmem>>)
      tpu.yield
    }) : () -> ()
    %add3A_5 = arith.constant 4096 : i32
    %add3A_6 = arith.addi %add3A_5, %mul3A_2 : i32
    "tpu.region"() ({
      %run_scoped3A = tpu.sem_alloc : memref<!tpu.dma_semaphore, #tpu.memory_space<semaphore_mem>>
      %dma_start3A_162 = arith.constant 128 : i32
      %dma_start3A_163 = tpu.memref_slice %arg5[%dma_start3A_162] : memref<512xi32, #tpu.memory_space<vmem>> -> memref<128xi32, #tpu.memory_space<vmem>>
      %dma_start3A_164 = tpu.memref_slice %arg3[%add3A_6] : memref<16384xi32, #tpu.memory_space<hbm>> -> memref<128xi32, #tpu.memory_space<hbm>>
      %dma_start3A_165 = arith.constant 128 : i32
      %dma_start3A_166 = tpu.memref_slice %arg5[%dma_start3A_165] : memref<512xi32, #tpu.memory_space<vmem>> -> memref<128xi32, #tpu.memory_space<vmem>>
      %dma_start3A_167 = tpu.memref_slice %arg3[%add3A_6] : memref<16384xi32, #tpu.memory_space<hbm>> -> memref<128xi32, #tpu.memory_space<hbm>>
      tpu.enqueue_dma source(%dma_start3A_167 : memref<128xi32, #tpu.memory_space<hbm>>) target(%dma_start3A_166 : memref<128xi32, #tpu.memory_space<vmem>>) target_semaphore(%run_scoped3A : memref<!tpu.dma_semaphore, #tpu.memory_space<semaphore_mem>>)
      %dma_wait3A_168 = arith.constant 128 : i32
      %dma_wait3A_169 = tpu.memref_slice %arg5[%dma_wait3A_168] : memref<512xi32, #tpu.memory_space<vmem>> -> memref<128xi32, #tpu.memory_space<vmem>>
      %dma_wait3A_170 = tpu.memref_slice %arg3[%add3A_6] : memref<16384xi32, #tpu.memory_space<hbm>> -> memref<128xi32, #tpu.memory_space<hbm>>
      %dma_wait3A_171 = arith.constant 128 : i32
      %dma_wait3A_172 = tpu.memref_slice %arg5[%dma_wait3A_171] : memref<512xi32, #tpu.memory_space<vmem>> -> memref<128xi32, #tpu.memory_space<vmem>>
      %dma_wait3A_173 = tpu.memref_slice %arg3[%add3A_6] : memref<16384xi32, #tpu.memory_space<hbm>> -> memref<128xi32, #tpu.memory_space<hbm>>
      tpu.wait_dma2 semaphore(%run_scoped3A : memref<!tpu.dma_semaphore, #tpu.memory_space<semaphore_mem>>) src(%dma_wait3A_173 : memref<128xi32, #tpu.memory_space<hbm>>) dst(%dma_wait3A_172 : memref<128xi32, #tpu.memory_space<vmem>>)
      tpu.yield
    }) : () -> ()
    %add3A_7 = arith.constant 8192 : i32
    %add3A_8 = arith.addi %add3A_7, %mul3A_2 : i32
    "tpu.region"() ({
      %run_scoped3A = tpu.sem_alloc : memref<!tpu.dma_semaphore, #tpu.memory_space<semaphore_mem>>
      %dma_start3A_162 = arith.constant 256 : i32
      %dma_start3A_163 = tpu.memref_slice %arg5[%dma_start3A_162] : memref<512xi32, #tpu.memory_space<vmem>> -> memref<128xi32, #tpu.memory_space<vmem>>
      %dma_start3A_164 = tpu.memref_slice %arg3[%add3A_8] : memref<16384xi32, #tpu.memory_space<hbm>> -> memref<128xi32, #tpu.memory_space<hbm>>
      %dma_start3A_165 = arith.constant 256 : i32
      %dma_start3A_166 = tpu.memref_slice %arg5[%dma_start3A_165] : memref<512xi32, #tpu.memory_space<vmem>> -> memref<128xi32, #tpu.memory_space<vmem>>
      %dma_start3A_167 = tpu.memref_slice %arg3[%add3A_8] : memref<16384xi32, #tpu.memory_space<hbm>> -> memref<128xi32, #tpu.memory_space<hbm>>
      tpu.enqueue_dma source(%dma_start3A_167 : memref<128xi32, #tpu.memory_space<hbm>>) target(%dma_start3A_166 : memref<128xi32, #tpu.memory_space<vmem>>) target_semaphore(%run_scoped3A : memref<!tpu.dma_semaphore, #tpu.memory_space<semaphore_mem>>)
      %dma_wait3A_168 = arith.constant 256 : i32
      %dma_wait3A_169 = tpu.memref_slice %arg5[%dma_wait3A_168] : memref<512xi32, #tpu.memory_space<vmem>> -> memref<128xi32, #tpu.memory_space<vmem>>
      %dma_wait3A_170 = tpu.memref_slice %arg3[%add3A_8] : memref<16384xi32, #tpu.memory_space<hbm>> -> memref<128xi32, #tpu.memory_space<hbm>>
      %dma_wait3A_171 = arith.constant 256 : i32
      %dma_wait3A_172 = tpu.memref_slice %arg5[%dma_wait3A_171] : memref<512xi32, #tpu.memory_space<vmem>> -> memref<128xi32, #tpu.memory_space<vmem>>
      %dma_wait3A_173 = tpu.memref_slice %arg3[%add3A_8] : memref<16384xi32, #tpu.memory_space<hbm>> -> memref<128xi32, #tpu.memory_space<hbm>>
      tpu.wait_dma2 semaphore(%run_scoped3A : memref<!tpu.dma_semaphore, #tpu.memory_space<semaphore_mem>>) src(%dma_wait3A_173 : memref<128xi32, #tpu.memory_space<hbm>>) dst(%dma_wait3A_172 : memref<128xi32, #tpu.memory_space<vmem>>)
      tpu.yield
    }) : () -> ()
    %add3A_9 = arith.constant 12288 : i32
    %add3A_10 = arith.addi %add3A_9, %mul3A_2 : i32
    "tpu.region"() ({
      %run_scoped3A = tpu.sem_alloc : memref<!tpu.dma_semaphore, #tpu.memory_space<semaphore_mem>>
      %dma_start3A_162 = arith.constant 384 : i32
      %dma_start3A_163 = tpu.memref_slice %arg5[%dma_start3A_162] : memref<512xi32, #tpu.memory_space<vmem>> -> memref<128xi32, #tpu.memory_space<vmem>>
      %dma_start3A_164 = tpu.memref_slice %arg3[%add3A_10] : memref<16384xi32, #tpu.memory_space<hbm>> -> memref<128xi32, #tpu.memory_space<hbm>>
      %dma_start3A_165 = arith.constant 384 : i32
      %dma_start3A_166 = tpu.memref_slice %arg5[%dma_start3A_165] : memref<512xi32, #tpu.memory_space<vmem>> -> memref<128xi32, #tpu.memory_space<vmem>>
      %dma_start3A_167 = tpu.memref_slice %arg3[%add3A_10] : memref<16384xi32, #tpu.memory_space<hbm>> -> memref<128xi32, #tpu.memory_space<hbm>>
      tpu.enqueue_dma source(%dma_start3A_167 : memref<128xi32, #tpu.memory_space<hbm>>) target(%dma_start3A_166 : memref<128xi32, #tpu.memory_space<vmem>>) target_semaphore(%run_scoped3A : memref<!tpu.dma_semaphore, #tpu.memory_space<semaphore_mem>>)
      %dma_wait3A_168 = arith.constant 384 : i32
      %dma_wait3A_169 = tpu.memref_slice %arg5[%dma_wait3A_168] : memref<512xi32, #tpu.memory_space<vmem>> -> memref<128xi32, #tpu.memory_space<vmem>>
      %dma_wait3A_170 = tpu.memref_slice %arg3[%add3A_10] : memref<16384xi32, #tpu.memory_space<hbm>> -> memref<128xi32, #tpu.memory_space<hbm>>
      %dma_wait3A_171 = arith.constant 384 : i32
      %dma_wait3A_172 = tpu.memref_slice %arg5[%dma_wait3A_171] : memref<512xi32, #tpu.memory_space<vmem>> -> memref<128xi32, #tpu.memory_space<vmem>>
      %dma_wait3A_173 = tpu.memref_slice %arg3[%add3A_10] : memref<16384xi32, #tpu.memory_space<hbm>> -> memref<128xi32, #tpu.memory_space<hbm>>
      tpu.wait_dma2 semaphore(%run_scoped3A : memref<!tpu.dma_semaphore, #tpu.memory_space<semaphore_mem>>) src(%dma_wait3A_173 : memref<128xi32, #tpu.memory_space<hbm>>) dst(%dma_wait3A_172 : memref<128xi32, #tpu.memory_space<vmem>>)
      tpu.yield
    }) : () -> ()
    %dma_start3A = arith.constant 0 : i32
    %dma_start3A_11 = arith.constant 0 : i32
    %dma_start3A_12 = tpu.memref_slice %arg6[%dma_start3A, %dma_start3A_11] : memref<512x16xi32, #tpu.memory_space<vmem>> -> memref<128x16xi32, #tpu.memory_space<vmem>>
    %dma_start3A_13 = arith.constant 0 : i32
    %dma_start3A_14 = tpu.memref_slice %arg5[%dma_start3A_13] : memref<512xi32, #tpu.memory_space<vmem>> -> memref<128xi32, #tpu.memory_space<vmem>>
    %dma_start3A_15 = arith.constant 0 : i32
    %dma_start3A_16 = arith.constant 0 : i32
    %dma_start3A_17 = tpu.memref_slice %arg2[%dma_start3A_15, %dma_start3A_16] : memref<50000x16xi32, #tpu.memory_space<hbm>> -> memref<50000x16xi32, #tpu.memory_space<hbm>>
    tpu.enqueue_indirect_dma source(%dma_start3A_17 : memref<50000x16xi32, #tpu.memory_space<hbm>>) target(%dma_start3A_12 : memref<128x16xi32, #tpu.memory_space<vmem>>) offsets(%dma_start3A_14 : memref<128xi32, #tpu.memory_space<vmem>>) semaphore(%arg9 : memref<!tpu.dma_semaphore, #tpu.memory_space<semaphore_mem>>)
    %dma_wait3A = arith.constant 0 : i32
    %dma_wait3A_18 = arith.constant 0 : i32
    %dma_wait3A_19 = tpu.memref_slice %arg6[%dma_wait3A, %dma_wait3A_18] : memref<512x16xi32, #tpu.memory_space<vmem>> -> memref<128x16xi32, #tpu.memory_space<vmem>>
    %dma_wait3A_20 = arith.constant 0 : i32
    %dma_wait3A_21 = tpu.memref_slice %arg5[%dma_wait3A_20] : memref<512xi32, #tpu.memory_space<vmem>> -> memref<128xi32, #tpu.memory_space<vmem>>
    %dma_wait3A_22 = arith.constant 0 : i32
    %dma_wait3A_23 = arith.constant 0 : i32
    %dma_wait3A_24 = tpu.memref_slice %arg2[%dma_wait3A_22, %dma_wait3A_23] : memref<50000x16xi32, #tpu.memory_space<hbm>> -> memref<50000x16xi32, #tpu.memory_space<hbm>>
    tpu.wait_indirect_dma semaphore(%arg9 : memref<!tpu.dma_semaphore, #tpu.memory_space<semaphore_mem>>) src(%dma_wait3A_24 : memref<50000x16xi32, #tpu.memory_space<hbm>>) dst(%dma_wait3A_19 : memref<128x16xi32, #tpu.memory_space<vmem>>)
    %dma_start3A_25 = arith.constant 128 : i32
    %dma_start3A_26 = arith.constant 0 : i32
    %dma_start3A_27 = tpu.memref_slice %arg6[%dma_start3A_25, %dma_start3A_26] : memref<512x16xi32, #tpu.memory_space<vmem>> -> memref<128x16xi32, #tpu.memory_space<vmem>>
    %dma_start3A_28 = arith.constant 128 : i32
    %dma_start3A_29 = tpu.memref_slice %arg5[%dma_start3A_28] : memref<512xi32, #tpu.memory_space<vmem>> -> memref<128xi32, #tpu.memory_space<vmem>>
    %dma_start3A_30 = arith.constant 0 : i32
    %dma_start3A_31 = arith.constant 0 : i32
    %dma_start3A_32 = tpu.memref_slice %arg2[%dma_start3A_30, %dma_start3A_31] : memref<50000x16xi32, #tpu.memory_space<hbm>> -> memref<50000x16xi32, #tpu.memory_space<hbm>>
    tpu.enqueue_indirect_dma source(%dma_start3A_32 : memref<50000x16xi32, #tpu.memory_space<hbm>>) target(%dma_start3A_27 : memref<128x16xi32, #tpu.memory_space<vmem>>) offsets(%dma_start3A_29 : memref<128xi32, #tpu.memory_space<vmem>>) semaphore(%arg9 : memref<!tpu.dma_semaphore, #tpu.memory_space<semaphore_mem>>)
    %dma_wait3A_33 = arith.constant 128 : i32
    %dma_wait3A_34 = arith.constant 0 : i32
    %dma_wait3A_35 = tpu.memref_slice %arg6[%dma_wait3A_33, %dma_wait3A_34] : memref<512x16xi32, #tpu.memory_space<vmem>> -> memref<128x16xi32, #tpu.memory_space<vmem>>
    %dma_wait3A_36 = arith.constant 128 : i32
    %dma_wait3A_37 = tpu.memref_slice %arg5[%dma_wait3A_36] : memref<512xi32, #tpu.memory_space<vmem>> -> memref<128xi32, #tpu.memory_space<vmem>>
    %dma_wait3A_38 = arith.constant 0 : i32
    %dma_wait3A_39 = arith.constant 0 : i32
    %dma_wait3A_40 = tpu.memref_slice %arg2[%dma_wait3A_38, %dma_wait3A_39] : memref<50000x16xi32, #tpu.memory_space<hbm>> -> memref<50000x16xi32, #tpu.memory_space<hbm>>
    tpu.wait_indirect_dma semaphore(%arg9 : memref<!tpu.dma_semaphore, #tpu.memory_space<semaphore_mem>>) src(%dma_wait3A_40 : memref<50000x16xi32, #tpu.memory_space<hbm>>) dst(%dma_wait3A_35 : memref<128x16xi32, #tpu.memory_space<vmem>>)
    %dma_start3A_41 = arith.constant 256 : i32
    %dma_start3A_42 = arith.constant 0 : i32
    %dma_start3A_43 = tpu.memref_slice %arg6[%dma_start3A_41, %dma_start3A_42] : memref<512x16xi32, #tpu.memory_space<vmem>> -> memref<128x16xi32, #tpu.memory_space<vmem>>
    %dma_start3A_44 = arith.constant 256 : i32
    %dma_start3A_45 = tpu.memref_slice %arg5[%dma_start3A_44] : memref<512xi32, #tpu.memory_space<vmem>> -> memref<128xi32, #tpu.memory_space<vmem>>
    %dma_start3A_46 = arith.constant 0 : i32
    %dma_start3A_47 = arith.constant 0 : i32
    %dma_start3A_48 = tpu.memref_slice %arg2[%dma_start3A_46, %dma_start3A_47] : memref<50000x16xi32, #tpu.memory_space<hbm>> -> memref<50000x16xi32, #tpu.memory_space<hbm>>
    tpu.enqueue_indirect_dma source(%dma_start3A_48 : memref<50000x16xi32, #tpu.memory_space<hbm>>) target(%dma_start3A_43 : memref<128x16xi32, #tpu.memory_space<vmem>>) offsets(%dma_start3A_45 : memref<128xi32, #tpu.memory_space<vmem>>) semaphore(%arg9 : memref<!tpu.dma_semaphore, #tpu.memory_space<semaphore_mem>>)
    %dma_wait3A_49 = arith.constant 256 : i32
    %dma_wait3A_50 = arith.constant 0 : i32
    %dma_wait3A_51 = tpu.memref_slice %arg6[%dma_wait3A_49, %dma_wait3A_50] : memref<512x16xi32, #tpu.memory_space<vmem>> -> memref<128x16xi32, #tpu.memory_space<vmem>>
    %dma_wait3A_52 = arith.constant 256 : i32
    %dma_wait3A_53 = tpu.memref_slice %arg5[%dma_wait3A_52] : memref<512xi32, #tpu.memory_space<vmem>> -> memref<128xi32, #tpu.memory_space<vmem>>
    %dma_wait3A_54 = arith.constant 0 : i32
    %dma_wait3A_55 = arith.constant 0 : i32
    %dma_wait3A_56 = tpu.memref_slice %arg2[%dma_wait3A_54, %dma_wait3A_55] : memref<50000x16xi32, #tpu.memory_space<hbm>> -> memref<50000x16xi32, #tpu.memory_space<hbm>>
    tpu.wait_indirect_dma semaphore(%arg9 : memref<!tpu.dma_semaphore, #tpu.memory_space<semaphore_mem>>) src(%dma_wait3A_56 : memref<50000x16xi32, #tpu.memory_space<hbm>>) dst(%dma_wait3A_51 : memref<128x16xi32, #tpu.memory_space<vmem>>)
    %dma_start3A_57 = arith.constant 384 : i32
    %dma_start3A_58 = arith.constant 0 : i32
    %dma_start3A_59 = tpu.memref_slice %arg6[%dma_start3A_57, %dma_start3A_58] : memref<512x16xi32, #tpu.memory_space<vmem>> -> memref<128x16xi32, #tpu.memory_space<vmem>>
    %dma_start3A_60 = arith.constant 384 : i32
    %dma_start3A_61 = tpu.memref_slice %arg5[%dma_start3A_60] : memref<512xi32, #tpu.memory_space<vmem>> -> memref<128xi32, #tpu.memory_space<vmem>>
    %dma_start3A_62 = arith.constant 0 : i32
    %dma_start3A_63 = arith.constant 0 : i32
    %dma_start3A_64 = tpu.memref_slice %arg2[%dma_start3A_62, %dma_start3A_63] : memref<50000x16xi32, #tpu.memory_space<hbm>> -> memref<50000x16xi32, #tpu.memory_space<hbm>>
    tpu.enqueue_indirect_dma source(%dma_start3A_64 : memref<50000x16xi32, #tpu.memory_space<hbm>>) target(%dma_start3A_59 : memref<128x16xi32, #tpu.memory_space<vmem>>) offsets(%dma_start3A_61 : memref<128xi32, #tpu.memory_space<vmem>>) semaphore(%arg9 : memref<!tpu.dma_semaphore, #tpu.memory_space<semaphore_mem>>)
    %dma_wait3A_65 = arith.constant 384 : i32
    %dma_wait3A_66 = arith.constant 0 : i32
    %dma_wait3A_67 = tpu.memref_slice %arg6[%dma_wait3A_65, %dma_wait3A_66] : memref<512x16xi32, #tpu.memory_space<vmem>> -> memref<128x16xi32, #tpu.memory_space<vmem>>
    %dma_wait3A_68 = arith.constant 384 : i32
    %dma_wait3A_69 = tpu.memref_slice %arg5[%dma_wait3A_68] : memref<512xi32, #tpu.memory_space<vmem>> -> memref<128xi32, #tpu.memory_space<vmem>>
    %dma_wait3A_70 = arith.constant 0 : i32
    %dma_wait3A_71 = arith.constant 0 : i32
    %dma_wait3A_72 = tpu.memref_slice %arg2[%dma_wait3A_70, %dma_wait3A_71] : memref<50000x16xi32, #tpu.memory_space<hbm>> -> memref<50000x16xi32, #tpu.memory_space<hbm>>
    tpu.wait_indirect_dma semaphore(%arg9 : memref<!tpu.dma_semaphore, #tpu.memory_space<semaphore_mem>>) src(%dma_wait3A_72 : memref<50000x16xi32, #tpu.memory_space<hbm>>) dst(%dma_wait3A_67 : memref<128x16xi32, #tpu.memory_space<vmem>>)
    %broadcast_in_dim3A = arith.constant 0.000000e+00 : f32
    %broadcast_in_dim3A_73 = vector.broadcast %broadcast_in_dim3A : f32 to vector<16xf32>
    %broadcast_in_dim3A_74 = arith.constant 1.000000e+00 : f32
    %broadcast_in_dim3A_75 = vector.broadcast %broadcast_in_dim3A_74 : f32 to vector<16xf32>
    %broadcast_in_dim3A_76 = arith.constant 6.400000e+01 : f32
    %broadcast_in_dim3A_77 = vector.broadcast %broadcast_in_dim3A_76 : f32 to vector<16xf32>
    %broadcast_in_dim3A_78 = arith.constant 4.096000e+03 : f32
    %broadcast_in_dim3A_79 = vector.broadcast %broadcast_in_dim3A_78 : f32 to vector<16xf32>
    %broadcast_in_dim3A_80 = arith.constant 2.621440e+05 : f32
    %broadcast_in_dim3A_81 = vector.broadcast %broadcast_in_dim3A_80 : f32 to vector<16xf32>
    %scan3A = arith.constant 0 : i32
    %scan3A_82 = arith.constant 0 : i32
    %scan3A_83 = arith.constant 2048 : i32
    %scan3A_84 = arith.addi %scan3A_82, %scan3A_83 : i32
    %scan3A_85 = arith.constant 1 : i32
    %scan3A_86 = scf.for %scan3A_162 = %scan3A_82 to %scan3A_84 step %scan3A_85 iter_args(%scan3A_163 = %scan3A) -> (i32)  : i32 {
      %mul3A_164 = arith.constant 16 : i32
      %mul3A_165 = arith.muli %scan3A_162, %mul3A_164 : i32
      %multiple_of3A = tpu.assume_multiple %mul3A_165, 16 : i32
      %swap3A = arith.index_cast %multiple_of3A : i32 to index
      %swap3A_166 = tpu.vector_load %arg7[%swap3A] {strides = array<i32>} : memref<32768xf32, #tpu.memory_space<vmem>>, vector<16xf32>,
      tpu.vector_store %arg7[%swap3A], %broadcast_in_dim3A_73 {strides = array<i32>} : memref<32768xf32, #tpu.memory_space<vmem>>, vector<16xf32>,
      %swap3A_167 = arith.index_cast %multiple_of3A : i32 to index
      %swap3A_168 = tpu.vector_load %arg8[%swap3A_167] {strides = array<i32>} : memref<32768xf32, #tpu.memory_space<vmem>>, vector<16xf32>,
      tpu.vector_store %arg8[%swap3A_167], %broadcast_in_dim3A_73 {strides = array<i32>} : memref<32768xf32, #tpu.memory_space<vmem>>, vector<16xf32>,
      %scan3A_169 = arith.constant 0 : i32
      scf.yield %scan3A_169 : i32
    }
    %scan3A_87 = arith.constant 2048 : i32
    %scan3A_88 = arith.constant 0 : i32
    %scan3A_89 = arith.constant 0 : i32
    %scan3A_90 = arith.constant 32 : i32
    %scan3A_91 = arith.addi %scan3A_89, %scan3A_90 : i32
    %scan3A_92 = arith.constant 1 : i32
    %scan3A_93 = scf.for %scan3A_162 = %scan3A_89 to %scan3A_91 step %scan3A_92 iter_args(%scan3A_163 = %scan3A_88) -> (i32)  : i32 {
      %add3A_164 = arith.constant 0 : i32
      %add3A_165 = arith.addi %add3A_164, %scan3A_162 : i32
      %get3A = arith.index_cast %add3A_165 : i32 to index
      %get3A_166 = arith.constant 0 : index
      %get3A_167 = tpu.vector_load %arg6[%get3A, %get3A_166] {strides = array<i32>} : memref<512x16xi32, #tpu.memory_space<vmem>>, vector<16xi32>,
      %mul3A_168 = arith.constant 1024 : i32
      %mul3A_169 = arith.muli %scan3A_162, %mul3A_168 : i32
      %add3A_170 = vector.broadcast %mul3A_169 : i32 to vector<16xi32>
      %add3A_171 = arith.addi %add3A_170, %get3A_167 : vector<16xi32>
      tpu.vector_store_idx %arg7[%add3A_171], %broadcast_in_dim3A_75 {add = true} : memref<32768xf32, #tpu.memory_space<vmem>>[vector<16xi32>], vector<16xf32>,
      %add3A_172 = arith.constant 128 : i32
      %add3A_173 = arith.addi %add3A_172, %scan3A_162 : i32
      %get3A_174 = arith.index_cast %add3A_173 : i32 to index
      %get3A_175 = arith.constant 0 : index
      %get3A_176 = tpu.vector_load %arg6[%get3A_174, %get3A_175] {strides = array<i32>} : memref<512x16xi32, #tpu.memory_space<vmem>>, vector<16xi32>,
      %mul3A_177 = arith.constant 1024 : i32
      %mul3A_178 = arith.muli %scan3A_162, %mul3A_177 : i32
      %add3A_179 = vector.broadcast %mul3A_178 : i32 to vector<16xi32>
      %add3A_180 = arith.addi %add3A_179, %get3A_176 : vector<16xi32>
      tpu.vector_store_idx %arg7[%add3A_180], %broadcast_in_dim3A_77 {add = true} : memref<32768xf32, #tpu.memory_space<vmem>>[vector<16xi32>], vector<16xf32>,
      %add3A_181 = arith.constant 256 : i32
      %add3A_182 = arith.addi %add3A_181, %scan3A_162 : i32
      %get3A_183 = arith.index_cast %add3A_182 : i32 to index
      %get3A_184 = arith.constant 0 : index
      %get3A_185 = tpu.vector_load %arg6[%get3A_183, %get3A_184] {strides = array<i32>} : memref<512x16xi32, #tpu.memory_space<vmem>>, vector<16xi32>,
      %mul3A_186 = arith.constant 1024 : i32
      %mul3A_187 = arith.muli %scan3A_162, %mul3A_186 : i32
      %add3A_188 = vector.broadcast %mul3A_187 : i32 to vector<16xi32>
      %add3A_189 = arith.addi %add3A_188, %get3A_185 : vector<16xi32>
      tpu.vector_store_idx %arg7[%add3A_189], %broadcast_in_dim3A_79 {add = true} : memref<32768xf32, #tpu.memory_space<vmem>>[vector<16xi32>], vector<16xf32>,
      %add3A_190 = arith.constant 384 : i32
      %add3A_191 = arith.addi %add3A_190, %scan3A_162 : i32
      %get3A_192 = arith.index_cast %add3A_191 : i32 to index
      %get3A_193 = arith.constant 0 : index
      %get3A_194 = tpu.vector_load %arg6[%get3A_192, %get3A_193] {strides = array<i32>} : memref<512x16xi32, #tpu.memory_space<vmem>>, vector<16xi32>,
      %mul3A_195 = arith.constant 1024 : i32
      %mul3A_196 = arith.muli %scan3A_162, %mul3A_195 : i32
      %add3A_197 = vector.broadcast %mul3A_196 : i32 to vector<16xi32>
      %add3A_198 = arith.addi %add3A_197, %get3A_194 : vector<16xi32>
      tpu.vector_store_idx %arg7[%add3A_198], %broadcast_in_dim3A_81 {add = true} : memref<32768xf32, #tpu.memory_space<vmem>>[vector<16xi32>], vector<16xf32>,
      %scan3A_199 = arith.constant 0 : i32
      scf.yield %scan3A_199 : i32
    }
    %scan3A_94 = arith.constant 32 : i32
    %add3A_95 = arith.constant 0 : i32
    %add3A_96 = arith.addi %mul3A_2, %add3A_95 : i32
    %mul3A_97 = arith.constant 1024 : i32
    %mul3A_98 = arith.muli %add3A_96, %mul3A_97 : i32
    %dma_start3A_99 = tpu.memref_slice %arg4[%mul3A_98] : memref<4194304xf32, #tpu.memory_space<hbm>> -> memref<32768xf32, #tpu.memory_space<hbm>>
    %dma_start3A_100 = tpu.memref_slice %arg4[%mul3A_98] : memref<4194304xf32, #tpu.memory_space<hbm>> -> memref<32768xf32, #tpu.memory_space<hbm>>
    tpu.enqueue_dma source(%arg7 : memref<32768xf32, #tpu.memory_space<vmem>>) target(%dma_start3A_100 : memref<32768xf32, #tpu.memory_space<hbm>>) target_semaphore(%arg10 : memref<!tpu.dma_semaphore, #tpu.memory_space<semaphore_mem>>)
    %scan3A_101 = arith.constant 0 : i32
    %scan3A_102 = arith.constant 0 : i32
    %scan3A_103 = arith.constant 32 : i32
    %scan3A_104 = arith.addi %scan3A_102, %scan3A_103 : i32
    %scan3A_105 = arith.constant 1 : i32
    %scan3A_106 = scf.for %scan3A_162 = %scan3A_102 to %scan3A_104 step %scan3A_105 iter_args(%scan3A_163 = %scan3A_101) -> (i32)  : i32 {
      %add3A_164 = arith.constant 32 : i32
      %add3A_165 = arith.addi %add3A_164, %scan3A_162 : i32
      %get3A = arith.index_cast %add3A_165 : i32 to index
      %get3A_166 = arith.constant 0 : index
      %get3A_167 = tpu.vector_load %arg6[%get3A, %get3A_166] {strides = array<i32>} : memref<512x16xi32, #tpu.memory_space<vmem>>, vector<16xi32>,
      %mul3A_168 = arith.constant 1024 : i32
      %mul3A_169 = arith.muli %scan3A_162, %mul3A_168 : i32
      %add3A_170 = vector.broadcast %mul3A_169 : i32 to vector<16xi32>
      %add3A_171 = arith.addi %add3A_170, %get3A_167 : vector<16xi32>
      tpu.vector_store_idx %arg8[%add3A_171], %broadcast_in_dim3A_75 {add = true} : memref<32768xf32, #tpu.memory_space<vmem>>[vector<16xi32>], vector<16xf32>,
      %add3A_172 = arith.constant 160 : i32
      %add3A_173 = arith.addi %add3A_172, %scan3A_162 : i32
      %get3A_174 = arith.index_cast %add3A_173 : i32 to index
      %get3A_175 = arith.constant 0 : index
      %get3A_176 = tpu.vector_load %arg6[%get3A_174, %get3A_175] {strides = array<i32>} : memref<512x16xi32, #tpu.memory_space<vmem>>, vector<16xi32>,
      %mul3A_177 = arith.constant 1024 : i32
      %mul3A_178 = arith.muli %scan3A_162, %mul3A_177 : i32
      %add3A_179 = vector.broadcast %mul3A_178 : i32 to vector<16xi32>
      %add3A_180 = arith.addi %add3A_179, %get3A_176 : vector<16xi32>
      tpu.vector_store_idx %arg8[%add3A_180], %broadcast_in_dim3A_77 {add = true} : memref<32768xf32, #tpu.memory_space<vmem>>[vector<16xi32>], vector<16xf32>,
      %add3A_181 = arith.constant 288 : i32
      %add3A_182 = arith.addi %add3A_181, %scan3A_162 : i32
      %get3A_183 = arith.index_cast %add3A_182 : i32 to index
      %get3A_184 = arith.constant 0 : index
      %get3A_185 = tpu.vector_load %arg6[%get3A_183, %get3A_184] {strides = array<i32>} : memref<512x16xi32, #tpu.memory_space<vmem>>, vector<16xi32>,
      %mul3A_186 = arith.constant 1024 : i32
      %mul3A_187 = arith.muli %scan3A_162, %mul3A_186 : i32
      %add3A_188 = vector.broadcast %mul3A_187 : i32 to vector<16xi32>
      %add3A_189 = arith.addi %add3A_188, %get3A_185 : vector<16xi32>
      tpu.vector_store_idx %arg8[%add3A_189], %broadcast_in_dim3A_79 {add = true} : memref<32768xf32, #tpu.memory_space<vmem>>[vector<16xi32>], vector<16xf32>,
      %add3A_190 = arith.constant 416 : i32
      %add3A_191 = arith.addi %add3A_190, %scan3A_162 : i32
      %get3A_192 = arith.index_cast %add3A_191 : i32 to index
      %get3A_193 = arith.constant 0 : index
      %get3A_194 = tpu.vector_load %arg6[%get3A_192, %get3A_193] {strides = array<i32>} : memref<512x16xi32, #tpu.memory_space<vmem>>, vector<16xi32>,
      %mul3A_195 = arith.constant 1024 : i32
      %mul3A_196 = arith.muli %scan3A_162, %mul3A_195 : i32
      %add3A_197 = vector.broadcast %mul3A_196 : i32 to vector<16xi32>
      %add3A_198 = arith.addi %add3A_197, %get3A_194 : vector<16xi32>
      tpu.vector_store_idx %arg8[%add3A_198], %broadcast_in_dim3A_81 {add = true} : memref<32768xf32, #tpu.memory_space<vmem>>[vector<16xi32>], vector<16xf32>,
      %scan3A_199 = arith.constant 0 : i32
      scf.yield %scan3A_199 : i32
    }
    %scan3A_107 = arith.constant 32 : i32
    %add3A_108 = arith.constant 32 : i32
    %add3A_109 = arith.addi %mul3A_2, %add3A_108 : i32
    %mul3A_110 = arith.constant 1024 : i32
    %mul3A_111 = arith.muli %add3A_109, %mul3A_110 : i32
    %dma_start3A_112 = tpu.memref_slice %arg4[%mul3A_111] : memref<4194304xf32, #tpu.memory_space<hbm>> -> memref<32768xf32, #tpu.memory_space<hbm>>
    %dma_start3A_113 = tpu.memref_slice %arg4[%mul3A_111] : memref<4194304xf32, #tpu.memory_space<hbm>> -> memref<32768xf32, #tpu.memory_space<hbm>>
    tpu.enqueue_dma source(%arg8 : memref<32768xf32, #tpu.memory_space<vmem>>) target(%dma_start3A_113 : memref<32768xf32, #tpu.memory_space<hbm>>) target_semaphore(%arg11 : memref<!tpu.dma_semaphore, #tpu.memory_space<semaphore_mem>>)
    %dma_wait3A_114 = tpu.memref_slice %arg4[%mul3A_98] : memref<4194304xf32, #tpu.memory_space<hbm>> -> memref<32768xf32, #tpu.memory_space<hbm>>
    %dma_wait3A_115 = tpu.memref_slice %arg4[%mul3A_98] : memref<4194304xf32, #tpu.memory_space<hbm>> -> memref<32768xf32, #tpu.memory_space<hbm>>
    tpu.wait_dma2 semaphore(%arg10 : memref<!tpu.dma_semaphore, #tpu.memory_space<semaphore_mem>>) src(%arg7 : memref<32768xf32, #tpu.memory_space<vmem>>) dst(%dma_wait3A_115 : memref<32768xf32, #tpu.memory_space<hbm>>)
    %scan3A_116 = arith.constant 0 : i32
    %scan3A_117 = arith.constant 0 : i32
    %scan3A_118 = arith.constant 32 : i32
    %scan3A_119 = arith.addi %scan3A_117, %scan3A_118 : i32
    %scan3A_120 = arith.constant 1 : i32
    %scan3A_121 = scf.for %scan3A_162 = %scan3A_117 to %scan3A_119 step %scan3A_120 iter_args(%scan3A_163 = %scan3A_116) -> (i32)  : i32 {
      %add3A_164 = arith.constant 0 : i32
      %add3A_165 = arith.addi %add3A_164, %scan3A_162 : i32
      %get3A = arith.index_cast %add3A_165 : i32 to index
      %get3A_166 = arith.constant 0 : index
      %get3A_167 = tpu.vector_load %arg6[%get3A, %get3A_166] {strides = array<i32>} : memref<512x16xi32, #tpu.memory_space<vmem>>, vector<16xi32>,
      %mul3A_168 = arith.constant 1024 : i32
      %mul3A_169 = arith.muli %scan3A_162, %mul3A_168 : i32
      %add3A_170 = vector.broadcast %mul3A_169 : i32 to vector<16xi32>
      %add3A_171 = arith.addi %add3A_170, %get3A_167 : vector<16xi32>
      tpu.vector_store_idx %arg7[%add3A_171], %broadcast_in_dim3A_73 : memref<32768xf32, #tpu.memory_space<vmem>>[vector<16xi32>], vector<16xf32>,
      %add3A_172 = arith.constant 128 : i32
      %add3A_173 = arith.addi %add3A_172, %scan3A_162 : i32
      %get3A_174 = arith.index_cast %add3A_173 : i32 to index
      %get3A_175 = arith.constant 0 : index
      %get3A_176 = tpu.vector_load %arg6[%get3A_174, %get3A_175] {strides = array<i32>} : memref<512x16xi32, #tpu.memory_space<vmem>>, vector<16xi32>,
      %mul3A_177 = arith.constant 1024 : i32
      %mul3A_178 = arith.muli %scan3A_162, %mul3A_177 : i32
      %add3A_179 = vector.broadcast %mul3A_178 : i32 to vector<16xi32>
      %add3A_180 = arith.addi %add3A_179, %get3A_176 : vector<16xi32>
      tpu.vector_store_idx %arg7[%add3A_180], %broadcast_in_dim3A_73 : memref<32768xf32, #tpu.memory_space<vmem>>[vector<16xi32>], vector<16xf32>,
      %add3A_181 = arith.constant 256 : i32
      %add3A_182 = arith.addi %add3A_181, %scan3A_162 : i32
      %get3A_183 = arith.index_cast %add3A_182 : i32 to index
      %get3A_184 = arith.constant 0 : index
      %get3A_185 = tpu.vector_load %arg6[%get3A_183, %get3A_184] {strides = array<i32>} : memref<512x16xi32, #tpu.memory_space<vmem>>, vector<16xi32>,
      %mul3A_186 = arith.constant 1024 : i32
      %mul3A_187 = arith.muli %scan3A_162, %mul3A_186 : i32
      %add3A_188 = vector.broadcast %mul3A_187 : i32 to vector<16xi32>
      %add3A_189 = arith.addi %add3A_188, %get3A_185 : vector<16xi32>
      tpu.vector_store_idx %arg7[%add3A_189], %broadcast_in_dim3A_73 : memref<32768xf32, #tpu.memory_space<vmem>>[vector<16xi32>], vector<16xf32>,
      %add3A_190 = arith.constant 384 : i32
      %add3A_191 = arith.addi %add3A_190, %scan3A_162 : i32
      %get3A_192 = arith.index_cast %add3A_191 : i32 to index
      %get3A_193 = arith.constant 0 : index
      %get3A_194 = tpu.vector_load %arg6[%get3A_192, %get3A_193] {strides = array<i32>} : memref<512x16xi32, #tpu.memory_space<vmem>>, vector<16xi32>,
      %mul3A_195 = arith.constant 1024 : i32
      %mul3A_196 = arith.muli %scan3A_162, %mul3A_195 : i32
      %add3A_197 = vector.broadcast %mul3A_196 : i32 to vector<16xi32>
      %add3A_198 = arith.addi %add3A_197, %get3A_194 : vector<16xi32>
      tpu.vector_store_idx %arg7[%add3A_198], %broadcast_in_dim3A_73 : memref<32768xf32, #tpu.memory_space<vmem>>[vector<16xi32>], vector<16xf32>,
      %scan3A_199 = arith.constant 0 : i32
      scf.yield %scan3A_199 : i32
    }
    %scan3A_122 = arith.constant 32 : i32
    %scan3A_123 = arith.constant 0 : i32
    %scan3A_124 = arith.constant 0 : i32
    %scan3A_125 = arith.constant 32 : i32
    %scan3A_126 = arith.addi %scan3A_124, %scan3A_125 : i32
    %scan3A_127 = arith.constant 1 : i32
    %scan3A_128 = scf.for %scan3A_162 = %scan3A_124 to %scan3A_126 step %scan3A_127 iter_args(%scan3A_163 = %scan3A_123) -> (i32)  : i32 {
      %add3A_164 = arith.constant 64 : i32
      %add3A_165 = arith.addi %add3A_164, %scan3A_162 : i32
      %get3A = arith.index_cast %add3A_165 : i32 to index
      %get3A_166 = arith.constant 0 : index
      %get3A_167 = tpu.vector_load %arg6[%get3A, %get3A_166] {strides = array<i32>} : memref<512x16xi32, #tpu.memory_space<vmem>>, vector<16xi32>,
      %mul3A_168 = arith.constant 1024 : i32
      %mul3A_169 = arith.muli %scan3A_162, %mul3A_168 : i32
      %add3A_170 = vector.broadcast %mul3A_169 : i32 to vector<16xi32>
      %add3A_171 = arith.addi %add3A_170, %get3A_167 : vector<16xi32>
      tpu.vector_store_idx %arg7[%add3A_171], %broadcast_in_dim3A_75 {add = true} : memref<32768xf32, #tpu.memory_space<vmem>>[vector<16xi32>], vector<16xf32>,
      %add3A_172 = arith.constant 192 : i32
      %add3A_173 = arith.addi %add3A_172, %scan3A_162 : i32
      %get3A_174 = arith.index_cast %add3A_173 : i32 to index
      %get3A_175 = arith.constant 0 : index
      %get3A_176 = tpu.vector_load %arg6[%get3A_174, %get3A_175] {strides = array<i32>} : memref<512x16xi32, #tpu.memory_space<vmem>>, vector<16xi32>,
      %mul3A_177 = arith.constant 1024 : i32
      %mul3A_178 = arith.muli %scan3A_162, %mul3A_177 : i32
      %add3A_179 = vector.broadcast %mul3A_178 : i32 to vector<16xi32>
      %add3A_180 = arith.addi %add3A_179, %get3A_176 : vector<16xi32>
      tpu.vector_store_idx %arg7[%add3A_180], %broadcast_in_dim3A_77 {add = true} : memref<32768xf32, #tpu.memory_space<vmem>>[vector<16xi32>], vector<16xf32>,
      %add3A_181 = arith.constant 320 : i32
      %add3A_182 = arith.addi %add3A_181, %scan3A_162 : i32
      %get3A_183 = arith.index_cast %add3A_182 : i32 to index
      %get3A_184 = arith.constant 0 : index
      %get3A_185 = tpu.vector_load %arg6[%get3A_183, %get3A_184] {strides = array<i32>} : memref<512x16xi32, #tpu.memory_space<vmem>>, vector<16xi32>,
      %mul3A_186 = arith.constant 1024 : i32
      %mul3A_187 = arith.muli %scan3A_162, %mul3A_186 : i32
      %add3A_188 = vector.broadcast %mul3A_187 : i32 to vector<16xi32>
      %add3A_189 = arith.addi %add3A_188, %get3A_185 : vector<16xi32>
      tpu.vector_store_idx %arg7[%add3A_189], %broadcast_in_dim3A_79 {add = true} : memref<32768xf32, #tpu.memory_space<vmem>>[vector<16xi32>], vector<16xf32>,
      %add3A_190 = arith.constant 448 : i32
      %add3A_191 = arith.addi %add3A_190, %scan3A_162 : i32
      %get3A_192 = arith.index_cast %add3A_191 : i32 to index
      %get3A_193 = arith.constant 0 : index
      %get3A_194 = tpu.vector_load %arg6[%get3A_192, %get3A_193] {strides = array<i32>} : memref<512x16xi32, #tpu.memory_space<vmem>>, vector<16xi32>,
      %mul3A_195 = arith.constant 1024 : i32
      %mul3A_196 = arith.muli %scan3A_162, %mul3A_195 : i32
      %add3A_197 = vector.broadcast %mul3A_196 : i32 to vector<16xi32>
      %add3A_198 = arith.addi %add3A_197, %get3A_194 : vector<16xi32>
      tpu.vector_store_idx %arg7[%add3A_198], %broadcast_in_dim3A_81 {add = true} : memref<32768xf32, #tpu.memory_space<vmem>>[vector<16xi32>], vector<16xf32>,
      %scan3A_199 = arith.constant 0 : i32
      scf.yield %scan3A_199 : i32
    }
    %scan3A_129 = arith.constant 32 : i32
    %add3A_130 = arith.constant 64 : i32
    %add3A_131 = arith.addi %mul3A_2, %add3A_130 : i32
    %mul3A_132 = arith.constant 1024 : i32
    %mul3A_133 = arith.muli %add3A_131, %mul3A_132 : i32
    %dma_start3A_134 = tpu.memref_slice %arg4[%mul3A_133] : memref<4194304xf32, #tpu.memory_space<hbm>> -> memref<32768xf32, #tpu.memory_space<hbm>>
    %dma_start3A_135 = tpu.memref_slice %arg4[%mul3A_133] : memref<4194304xf32, #tpu.memory_space<hbm>> -> memref<32768xf32, #tpu.memory_space<hbm>>
    tpu.enqueue_dma source(%arg7 : memref<32768xf32, #tpu.memory_space<vmem>>) target(%dma_start3A_135 : memref<32768xf32, #tpu.memory_space<hbm>>) target_semaphore(%arg10 : memref<!tpu.dma_semaphore, #tpu.memory_space<semaphore_mem>>)
    %dma_wait3A_136 = tpu.memref_slice %arg4[%mul3A_111] : memref<4194304xf32, #tpu.memory_space<hbm>> -> memref<32768xf32, #tpu.memory_space<hbm>>
    %dma_wait3A_137 = tpu.memref_slice %arg4[%mul3A_111] : memref<4194304xf32, #tpu.memory_space<hbm>> -> memref<32768xf32, #tpu.memory_space<hbm>>
    tpu.wait_dma2 semaphore(%arg11 : memref<!tpu.dma_semaphore, #tpu.memory_space<semaphore_mem>>) src(%arg8 : memref<32768xf32, #tpu.memory_space<vmem>>) dst(%dma_wait3A_137 : memref<32768xf32, #tpu.memory_space<hbm>>)
    %scan3A_138 = arith.constant 0 : i32
    %scan3A_139 = arith.constant 0 : i32
    %scan3A_140 = arith.constant 32 : i32
    %scan3A_141 = arith.addi %scan3A_139, %scan3A_140 : i32
    %scan3A_142 = arith.constant 1 : i32
    %scan3A_143 = scf.for %scan3A_162 = %scan3A_139 to %scan3A_141 step %scan3A_142 iter_args(%scan3A_163 = %scan3A_138) -> (i32)  : i32 {
      %add3A_164 = arith.constant 32 : i32
      %add3A_165 = arith.addi %add3A_164, %scan3A_162 : i32
      %get3A = arith.index_cast %add3A_165 : i32 to index
      %get3A_166 = arith.constant 0 : index
      %get3A_167 = tpu.vector_load %arg6[%get3A, %get3A_166] {strides = array<i32>} : memref<512x16xi32, #tpu.memory_space<vmem>>, vector<16xi32>,
      %mul3A_168 = arith.constant 1024 : i32
      %mul3A_169 = arith.muli %scan3A_162, %mul3A_168 : i32
      %add3A_170 = vector.broadcast %mul3A_169 : i32 to vector<16xi32>
      %add3A_171 = arith.addi %add3A_170, %get3A_167 : vector<16xi32>
      tpu.vector_store_idx %arg8[%add3A_171], %broadcast_in_dim3A_73 : memref<32768xf32, #tpu.memory_space<vmem>>[vector<16xi32>], vector<16xf32>,
      %add3A_172 = arith.constant 160 : i32
      %add3A_173 = arith.addi %add3A_172, %scan3A_162 : i32
      %get3A_174 = arith.index_cast %add3A_173 : i32 to index
      %get3A_175 = arith.constant 0 : index
      %get3A_176 = tpu.vector_load %arg6[%get3A_174, %get3A_175] {strides = array<i32>} : memref<512x16xi32, #tpu.memory_space<vmem>>, vector<16xi32>,
      %mul3A_177 = arith.constant 1024 : i32
      %mul3A_178 = arith.muli %scan3A_162, %mul3A_177 : i32
      %add3A_179 = vector.broadcast %mul3A_178 : i32 to vector<16xi32>
      %add3A_180 = arith.addi %add3A_179, %get3A_176 : vector<16xi32>
      tpu.vector_store_idx %arg8[%add3A_180], %broadcast_in_dim3A_73 : memref<32768xf32, #tpu.memory_space<vmem>>[vector<16xi32>], vector<16xf32>,
      %add3A_181 = arith.constant 288 : i32
      %add3A_182 = arith.addi %add3A_181, %scan3A_162 : i32
      %get3A_183 = arith.index_cast %add3A_182 : i32 to index
      %get3A_184 = arith.constant 0 : index
      %get3A_185 = tpu.vector_load %arg6[%get3A_183, %get3A_184] {strides = array<i32>} : memref<512x16xi32, #tpu.memory_space<vmem>>, vector<16xi32>,
      %mul3A_186 = arith.constant 1024 : i32
      %mul3A_187 = arith.muli %scan3A_162, %mul3A_186 : i32
      %add3A_188 = vector.broadcast %mul3A_187 : i32 to vector<16xi32>
      %add3A_189 = arith.addi %add3A_188, %get3A_185 : vector<16xi32>
      tpu.vector_store_idx %arg8[%add3A_189], %broadcast_in_dim3A_73 : memref<32768xf32, #tpu.memory_space<vmem>>[vector<16xi32>], vector<16xf32>,
      %add3A_190 = arith.constant 416 : i32
      %add3A_191 = arith.addi %add3A_190, %scan3A_162 : i32
      %get3A_192 = arith.index_cast %add3A_191 : i32 to index
      %get3A_193 = arith.constant 0 : index
      %get3A_194 = tpu.vector_load %arg6[%get3A_192, %get3A_193] {strides = array<i32>} : memref<512x16xi32, #tpu.memory_space<vmem>>, vector<16xi32>,
      %mul3A_195 = arith.constant 1024 : i32
      %mul3A_196 = arith.muli %scan3A_162, %mul3A_195 : i32
      %add3A_197 = vector.broadcast %mul3A_196 : i32 to vector<16xi32>
      %add3A_198 = arith.addi %add3A_197, %get3A_194 : vector<16xi32>
      tpu.vector_store_idx %arg8[%add3A_198], %broadcast_in_dim3A_73 : memref<32768xf32, #tpu.memory_space<vmem>>[vector<16xi32>], vector<16xf32>,
      %scan3A_199 = arith.constant 0 : i32
      scf.yield %scan3A_199 : i32
    }
    %scan3A_144 = arith.constant 32 : i32
    %scan3A_145 = arith.constant 0 : i32
    %scan3A_146 = arith.constant 0 : i32
    %scan3A_147 = arith.constant 32 : i32
    %scan3A_148 = arith.addi %scan3A_146, %scan3A_147 : i32
    %scan3A_149 = arith.constant 1 : i32
    %scan3A_150 = scf.for %scan3A_162 = %scan3A_146 to %scan3A_148 step %scan3A_149 iter_args(%scan3A_163 = %scan3A_145) -> (i32)  : i32 {
      %add3A_164 = arith.constant 96 : i32
      %add3A_165 = arith.addi %add3A_164, %scan3A_162 : i32
      %get3A = arith.index_cast %add3A_165 : i32 to index
      %get3A_166 = arith.constant 0 : index
      %get3A_167 = tpu.vector_load %arg6[%get3A, %get3A_166] {strides = array<i32>} : memref<512x16xi32, #tpu.memory_space<vmem>>, vector<16xi32>,
      %mul3A_168 = arith.constant 1024 : i32
      %mul3A_169 = arith.muli %scan3A_162, %mul3A_168 : i32
      %add3A_170 = vector.broadcast %mul3A_169 : i32 to vector<16xi32>
      %add3A_171 = arith.addi %add3A_170, %get3A_167 : vector<16xi32>
      tpu.vector_store_idx %arg8[%add3A_171], %broadcast_in_dim3A_75 {add = true} : memref<32768xf32, #tpu.memory_space<vmem>>[vector<16xi32>], vector<16xf32>,
      %add3A_172 = arith.constant 224 : i32
      %add3A_173 = arith.addi %add3A_172, %scan3A_162 : i32
      %get3A_174 = arith.index_cast %add3A_173 : i32 to index
      %get3A_175 = arith.constant 0 : index
      %get3A_176 = tpu.vector_load %arg6[%get3A_174, %get3A_175] {strides = array<i32>} : memref<512x16xi32, #tpu.memory_space<vmem>>, vector<16xi32>,
      %mul3A_177 = arith.constant 1024 : i32
      %mul3A_178 = arith.muli %scan3A_162, %mul3A_177 : i32
      %add3A_179 = vector.broadcast %mul3A_178 : i32 to vector<16xi32>
      %add3A_180 = arith.addi %add3A_179, %get3A_176 : vector<16xi32>
      tpu.vector_store_idx %arg8[%add3A_180], %broadcast_in_dim3A_77 {add = true} : memref<32768xf32, #tpu.memory_space<vmem>>[vector<16xi32>], vector<16xf32>,
      %add3A_181 = arith.constant 352 : i32
      %add3A_182 = arith.addi %add3A_181, %scan3A_162 : i32
      %get3A_183 = arith.index_cast %add3A_182 : i32 to index
      %get3A_184 = arith.constant 0 : index
      %get3A_185 = tpu.vector_load %arg6[%get3A_183, %get3A_184] {strides = array<i32>} : memref<512x16xi32, #tpu.memory_space<vmem>>, vector<16xi32>,
      %mul3A_186 = arith.constant 1024 : i32
      %mul3A_187 = arith.muli %scan3A_162, %mul3A_186 : i32
      %add3A_188 = vector.broadcast %mul3A_187 : i32 to vector<16xi32>
      %add3A_189 = arith.addi %add3A_188, %get3A_185 : vector<16xi32>
      tpu.vector_store_idx %arg8[%add3A_189], %broadcast_in_dim3A_79 {add = true} : memref<32768xf32, #tpu.memory_space<vmem>>[vector<16xi32>], vector<16xf32>,
      %add3A_190 = arith.constant 480 : i32
      %add3A_191 = arith.addi %add3A_190, %scan3A_162 : i32
      %get3A_192 = arith.index_cast %add3A_191 : i32 to index
      %get3A_193 = arith.constant 0 : index
      %get3A_194 = tpu.vector_load %arg6[%get3A_192, %get3A_193] {strides = array<i32>} : memref<512x16xi32, #tpu.memory_space<vmem>>, vector<16xi32>,
      %mul3A_195 = arith.constant 1024 : i32
      %mul3A_196 = arith.muli %scan3A_162, %mul3A_195 : i32
      %add3A_197 = vector.broadcast %mul3A_196 : i32 to vector<16xi32>
      %add3A_198 = arith.addi %add3A_197, %get3A_194 : vector<16xi32>
      tpu.vector_store_idx %arg8[%add3A_198], %broadcast_in_dim3A_81 {add = true} : memref<32768xf32, #tpu.memory_space<vmem>>[vector<16xi32>], vector<16xf32>,
      %scan3A_199 = arith.constant 0 : i32
      scf.yield %scan3A_199 : i32
    }
    %scan3A_151 = arith.constant 32 : i32
    %add3A_152 = arith.constant 96 : i32
    %add3A_153 = arith.addi %mul3A_2, %add3A_152 : i32
    %mul3A_154 = arith.constant 1024 : i32
    %mul3A_155 = arith.muli %add3A_153, %mul3A_154 : i32
    %dma_start3A_156 = tpu.memref_slice %arg4[%mul3A_155] : memref<4194304xf32, #tpu.memory_space<hbm>> -> memref<32768xf32, #tpu.memory_space<hbm>>
    %dma_start3A_157 = tpu.memref_slice %arg4[%mul3A_155] : memref<4194304xf32, #tpu.memory_space<hbm>> -> memref<32768xf32, #tpu.memory_space<hbm>>
    tpu.enqueue_dma source(%arg8 : memref<32768xf32, #tpu.memory_space<vmem>>) target(%dma_start3A_157 : memref<32768xf32, #tpu.memory_space<hbm>>) target_semaphore(%arg11 : memref<!tpu.dma_semaphore, #tpu.memory_space<semaphore_mem>>)
    %dma_wait3A_158 = tpu.memref_slice %arg4[%mul3A_133] : memref<4194304xf32, #tpu.memory_space<hbm>> -> memref<32768xf32, #tpu.memory_space<hbm>>
    %dma_wait3A_159 = tpu.memref_slice %arg4[%mul3A_133] : memref<4194304xf32, #tpu.memory_space<hbm>> -> memref<32768xf32, #tpu.memory_space<hbm>>
    tpu.wait_dma2 semaphore(%arg10 : memref<!tpu.dma_semaphore, #tpu.memory_space<semaphore_mem>>) src(%arg7 : memref<32768xf32, #tpu.memory_space<vmem>>) dst(%dma_wait3A_159 : memref<32768xf32, #tpu.memory_space<hbm>>)
    %dma_wait3A_160 = tpu.memref_slice %arg4[%mul3A_155] : memref<4194304xf32, #tpu.memory_space<hbm>> -> memref<32768xf32, #tpu.memory_space<hbm>>
    %dma_wait3A_161 = tpu.memref_slice %arg4[%mul3A_155] : memref<4194304xf32, #tpu.memory_space<hbm>> -> memref<32768xf32, #tpu.memory_space<hbm>>
    tpu.wait_dma2 semaphore(%arg11 : memref<!tpu.dma_semaphore, #tpu.memory_space<semaphore_mem>>) src(%arg8 : memref<32768xf32, #tpu.memory_space<vmem>>) dst(%dma_wait3A_161 : memref<32768xf32, #tpu.memory_space<hbm>>)
    return
  }
}

module attributes {stable_mosaic.version = 14 : i64} {
  func.func @_pool_body(%arg0: i32, %arg1: memref<524288xf32, #tpu.memory_space<vmem>>, %arg2: memref<1024x128xbf16, #tpu.memory_space<vmem>>, %arg3: memref<128xf32, #tpu.memory_space<vmem>>, %arg4: memref<4x512x128xf32, #tpu.memory_space<vmem>>) attributes {dimension_semantics = [#tpu.dimension_semantics<arbitrary>], iteration_bounds = array<i64: 8>, scalar_prefetch = 0 : i64, scratch_operands = 0 : i64, tpu.core_type = #tpu.core_type<tc>, window_params = [{transform_indices = @transform_0, window_bounds = array<i64: 524288>}, {pipeline_mode = #tpu.pipeline_mode<synchronous>, transform_indices = @transform_1, window_bounds = array<i64: 1024, 128>}, {pipeline_mode = #tpu.pipeline_mode<synchronous>, transform_indices = @transform_2, window_bounds = array<i64: 128>}, {transform_indices = @transform_3, window_bounds = array<i64: 4, 512, 128>}]} {
    %get3A = arith.constant 0 : index
    %get3A_0 = vector.load %arg1[%get3A] : memref<524288xf32, #tpu.memory_space<vmem>>, vector<524288xf32>
    %reshape3A = vector.shape_cast %get3A_0 : vector<524288xf32> to vector<512x1024xf32>
    %mul3A = arith.constant 1.562500e-02 : f32
    %mul3A_1 = vector.broadcast %mul3A : f32 to vector<512x1024xf32>
    %mul3A_2 = arith.mulf %reshape3A, %mul3A_1 : vector<512x1024xf32>
    %floor3A = math.floor %mul3A_2 : vector<512x1024xf32>
    %mul3A_3 = arith.constant 6.400000e+01 : f32
    %mul3A_4 = vector.broadcast %mul3A_3 : f32 to vector<512x1024xf32>
    %mul3A_5 = arith.mulf %mul3A_4, %floor3A : vector<512x1024xf32>
    %sub3A = arith.subf %reshape3A, %mul3A_5 : vector<512x1024xf32>
    %mul3A_6 = arith.constant 1.562500e-02 : f32
    %mul3A_7 = vector.broadcast %mul3A_6 : f32 to vector<512x1024xf32>
    %mul3A_8 = arith.mulf %floor3A, %mul3A_7 : vector<512x1024xf32>
    %floor3A_9 = math.floor %mul3A_8 : vector<512x1024xf32>
    %mul3A_10 = arith.constant 6.400000e+01 : f32
    %mul3A_11 = vector.broadcast %mul3A_10 : f32 to vector<512x1024xf32>
    %mul3A_12 = arith.mulf %mul3A_11, %floor3A_9 : vector<512x1024xf32>
    %sub3A_13 = arith.subf %floor3A, %mul3A_12 : vector<512x1024xf32>
    %mul3A_14 = arith.constant 1.562500e-02 : f32
    %mul3A_15 = vector.broadcast %mul3A_14 : f32 to vector<512x1024xf32>
    %mul3A_16 = arith.mulf %floor3A_9, %mul3A_15 : vector<512x1024xf32>
    %floor3A_17 = math.floor %mul3A_16 : vector<512x1024xf32>
    %mul3A_18 = arith.constant 6.400000e+01 : f32
    %mul3A_19 = vector.broadcast %mul3A_18 : f32 to vector<512x1024xf32>
    %mul3A_20 = arith.mulf %mul3A_19, %floor3A_17 : vector<512x1024xf32>
    %sub3A_21 = arith.subf %floor3A_9, %mul3A_20 : vector<512x1024xf32>
    %get3A_22 = arith.constant 0 : index
    %get3A_23 = arith.constant 0 : index
    %get3A_24 = vector.load %arg2[%get3A_22, %get3A_23] : memref<1024x128xbf16, #tpu.memory_space<vmem>>, vector<1024x128xbf16>
    %get3A_25 = arith.constant 0 : index
    %get3A_26 = vector.load %arg3[%get3A_25] : memref<128xf32, #tpu.memory_space<vmem>>, vector<128xf32>
    %broadcast_in_dim3A = vector.shape_cast %get3A_26 : vector<128xf32> to vector<1x128xf32>
    %slice3A = vector.extract_strided_slice %sub3A {offsets = [0, 1], sizes = [512, 1], strides = [1, 1]} : vector<512x1024xf32> to vector<512x1xf32>
    %sub3A_27 = arith.constant 1.600000e+01 : f32
    %sub3A_28 = vector.broadcast %sub3A_27 : f32 to vector<512x1xf32>
    %sub3A_29 = arith.subf %sub3A_28, %slice3A : vector<512x1xf32>
    %max3A = arith.constant 1.000000e+00 : f32
    %max3A_30 = vector.broadcast %max3A : f32 to vector<512x1xf32>
    %max3A_31 = arith.maximumf %sub3A_29, %max3A_30 : vector<512x1xf32>
    %div3A = arith.constant 1.000000e+00 : f32
    %div3A_32 = vector.broadcast %div3A : f32 to vector<512x1xf32>
    %div3A_33 = arith.divf %div3A_32, %max3A_31 : vector<512x1xf32>
    %convert_element_type3A = arith.truncf %sub3A : vector<512x1024xf32> to vector<512x1024xbf16>
    %dot_general3A = arith.constant dense<0.000000e+00> : vector<512x128xf32>
    %dot_general3A_34 = tpu.matmul %convert_element_type3A, %get3A_24, %dot_general3A {dimension_numbers = #tpu.dot_dimension_numbers<[1], [0], [0], [1], [0, 0, 1, 1], [], []>, transpose_lhs_hint = false} : vector<512x1024xbf16>, vector<1024x128xbf16>, vector<512x128xf32> -> vector<512x128xf32>
    %mul3A_35 = vector.broadcast %div3A_33 : vector<512x1xf32> to vector<512x128xf32>
    %mul3A_36 = arith.mulf %dot_general3A_34, %mul3A_35 : vector<512x128xf32>
    %add3A = vector.broadcast %broadcast_in_dim3A : vector<1x128xf32> to vector<512x128xf32>
    %add3A_37 = arith.addf %mul3A_36, %add3A : vector<512x128xf32>
    %swap3A = arith.constant 0 : index
    %swap3A_38 = arith.constant 0 : index
    %swap3A_39 = arith.constant 0 : index
    %swap3A_40 = vector.load %arg4[%swap3A, %swap3A_38, %swap3A_39] : memref<4x512x128xf32, #tpu.memory_space<vmem>>, vector<1x512x128xf32>
    %swap3A_41 = vector.shape_cast %swap3A_40 : vector<1x512x128xf32> to vector<512x128xf32>
    %swap3A_42 = vector.shape_cast %add3A_37 : vector<512x128xf32> to vector<1x512x128xf32>
    tpu.vector_store %arg4[%swap3A, %swap3A_38, %swap3A_39], %swap3A_42 {strides = array<i32>} : memref<4x512x128xf32, #tpu.memory_space<vmem>>, vector<1x512x128xf32>,
    %slice3A_43 = vector.extract_strided_slice %sub3A_13 {offsets = [0, 1], sizes = [512, 1], strides = [1, 1]} : vector<512x1024xf32> to vector<512x1xf32>
    %sub3A_44 = arith.constant 1.600000e+01 : f32
    %sub3A_45 = vector.broadcast %sub3A_44 : f32 to vector<512x1xf32>
    %sub3A_46 = arith.subf %sub3A_45, %slice3A_43 : vector<512x1xf32>
    %max3A_47 = arith.constant 1.000000e+00 : f32
    %max3A_48 = vector.broadcast %max3A_47 : f32 to vector<512x1xf32>
    %max3A_49 = arith.maximumf %sub3A_46, %max3A_48 : vector<512x1xf32>
    %div3A_50 = arith.constant 1.000000e+00 : f32
    %div3A_51 = vector.broadcast %div3A_50 : f32 to vector<512x1xf32>
    %div3A_52 = arith.divf %div3A_51, %max3A_49 : vector<512x1xf32>
    %convert_element_type3A_53 = arith.truncf %sub3A_13 : vector<512x1024xf32> to vector<512x1024xbf16>
    %dot_general3A_54 = arith.constant dense<0.000000e+00> : vector<512x128xf32>
    %dot_general3A_55 = tpu.matmul %convert_element_type3A_53, %get3A_24, %dot_general3A_54 {dimension_numbers = #tpu.dot_dimension_numbers<[1], [0], [0], [1], [0, 0, 1, 1], [], []>, transpose_lhs_hint = false} : vector<512x1024xbf16>, vector<1024x128xbf16>, vector<512x128xf32> -> vector<512x128xf32>
    %mul3A_56 = vector.broadcast %div3A_52 : vector<512x1xf32> to vector<512x128xf32>
    %mul3A_57 = arith.mulf %dot_general3A_55, %mul3A_56 : vector<512x128xf32>
    %add3A_58 = vector.broadcast %broadcast_in_dim3A : vector<1x128xf32> to vector<512x128xf32>
    %add3A_59 = arith.addf %mul3A_57, %add3A_58 : vector<512x128xf32>
    %swap3A_60 = arith.constant 1 : index
    %swap3A_61 = arith.constant 0 : index
    %swap3A_62 = arith.constant 0 : index
    %swap3A_63 = vector.load %arg4[%swap3A_60, %swap3A_61, %swap3A_62] : memref<4x512x128xf32, #tpu.memory_space<vmem>>, vector<1x512x128xf32>
    %swap3A_64 = vector.shape_cast %swap3A_63 : vector<1x512x128xf32> to vector<512x128xf32>
    %swap3A_65 = vector.shape_cast %add3A_59 : vector<512x128xf32> to vector<1x512x128xf32>
    tpu.vector_store %arg4[%swap3A_60, %swap3A_61, %swap3A_62], %swap3A_65 {strides = array<i32>} : memref<4x512x128xf32, #tpu.memory_space<vmem>>, vector<1x512x128xf32>,
    %slice3A_66 = vector.extract_strided_slice %sub3A_21 {offsets = [0, 1], sizes = [512, 1], strides = [1, 1]} : vector<512x1024xf32> to vector<512x1xf32>
    %sub3A_67 = arith.constant 1.600000e+01 : f32
    %sub3A_68 = vector.broadcast %sub3A_67 : f32 to vector<512x1xf32>
    %sub3A_69 = arith.subf %sub3A_68, %slice3A_66 : vector<512x1xf32>
    %max3A_70 = arith.constant 1.000000e+00 : f32
    %max3A_71 = vector.broadcast %max3A_70 : f32 to vector<512x1xf32>
    %max3A_72 = arith.maximumf %sub3A_69, %max3A_71 : vector<512x1xf32>
    %div3A_73 = arith.constant 1.000000e+00 : f32
    %div3A_74 = vector.broadcast %div3A_73 : f32 to vector<512x1xf32>
    %div3A_75 = arith.divf %div3A_74, %max3A_72 : vector<512x1xf32>
    %convert_element_type3A_76 = arith.truncf %sub3A_21 : vector<512x1024xf32> to vector<512x1024xbf16>
    %dot_general3A_77 = arith.constant dense<0.000000e+00> : vector<512x128xf32>
    %dot_general3A_78 = tpu.matmul %convert_element_type3A_76, %get3A_24, %dot_general3A_77 {dimension_numbers = #tpu.dot_dimension_numbers<[1], [0], [0], [1], [0, 0, 1, 1], [], []>, transpose_lhs_hint = false} : vector<512x1024xbf16>, vector<1024x128xbf16>, vector<512x128xf32> -> vector<512x128xf32>
    %mul3A_79 = vector.broadcast %div3A_75 : vector<512x1xf32> to vector<512x128xf32>
    %mul3A_80 = arith.mulf %dot_general3A_78, %mul3A_79 : vector<512x128xf32>
    %add3A_81 = vector.broadcast %broadcast_in_dim3A : vector<1x128xf32> to vector<512x128xf32>
    %add3A_82 = arith.addf %mul3A_80, %add3A_81 : vector<512x128xf32>
    %swap3A_83 = arith.constant 2 : index
    %swap3A_84 = arith.constant 0 : index
    %swap3A_85 = arith.constant 0 : index
    %swap3A_86 = vector.load %arg4[%swap3A_83, %swap3A_84, %swap3A_85] : memref<4x512x128xf32, #tpu.memory_space<vmem>>, vector<1x512x128xf32>
    %swap3A_87 = vector.shape_cast %swap3A_86 : vector<1x512x128xf32> to vector<512x128xf32>
    %swap3A_88 = vector.shape_cast %add3A_82 : vector<512x128xf32> to vector<1x512x128xf32>
    tpu.vector_store %arg4[%swap3A_83, %swap3A_84, %swap3A_85], %swap3A_88 {strides = array<i32>} : memref<4x512x128xf32, #tpu.memory_space<vmem>>, vector<1x512x128xf32>,
    %slice3A_89 = vector.extract_strided_slice %floor3A_17 {offsets = [0, 1], sizes = [512, 1], strides = [1, 1]} : vector<512x1024xf32> to vector<512x1xf32>
    %sub3A_90 = arith.constant 1.600000e+01 : f32
    %sub3A_91 = vector.broadcast %sub3A_90 : f32 to vector<512x1xf32>
    %sub3A_92 = arith.subf %sub3A_91, %slice3A_89 : vector<512x1xf32>
    %max3A_93 = arith.constant 1.000000e+00 : f32
    %max3A_94 = vector.broadcast %max3A_93 : f32 to vector<512x1xf32>
    %max3A_95 = arith.maximumf %sub3A_92, %max3A_94 : vector<512x1xf32>
    %div3A_96 = arith.constant 1.000000e+00 : f32
    %div3A_97 = vector.broadcast %div3A_96 : f32 to vector<512x1xf32>
    %div3A_98 = arith.divf %div3A_97, %max3A_95 : vector<512x1xf32>
    %convert_element_type3A_99 = arith.truncf %floor3A_17 : vector<512x1024xf32> to vector<512x1024xbf16>
    %dot_general3A_100 = arith.constant dense<0.000000e+00> : vector<512x128xf32>
    %dot_general3A_101 = tpu.matmul %convert_element_type3A_99, %get3A_24, %dot_general3A_100 {dimension_numbers = #tpu.dot_dimension_numbers<[1], [0], [0], [1], [0, 0, 1, 1], [], []>, transpose_lhs_hint = false} : vector<512x1024xbf16>, vector<1024x128xbf16>, vector<512x128xf32> -> vector<512x128xf32>
    %mul3A_102 = vector.broadcast %div3A_98 : vector<512x1xf32> to vector<512x128xf32>
    %mul3A_103 = arith.mulf %dot_general3A_101, %mul3A_102 : vector<512x128xf32>
    %add3A_104 = vector.broadcast %broadcast_in_dim3A : vector<1x128xf32> to vector<512x128xf32>
    %add3A_105 = arith.addf %mul3A_103, %add3A_104 : vector<512x128xf32>
    %swap3A_106 = arith.constant 3 : index
    %swap3A_107 = arith.constant 0 : index
    %swap3A_108 = arith.constant 0 : index
    %swap3A_109 = vector.load %arg4[%swap3A_106, %swap3A_107, %swap3A_108] : memref<4x512x128xf32, #tpu.memory_space<vmem>>, vector<1x512x128xf32>
    %swap3A_110 = vector.shape_cast %swap3A_109 : vector<1x512x128xf32> to vector<512x128xf32>
    %swap3A_111 = vector.shape_cast %add3A_105 : vector<512x128xf32> to vector<1x512x128xf32>
    tpu.vector_store %arg4[%swap3A_106, %swap3A_107, %swap3A_108], %swap3A_111 {strides = array<i32>} : memref<4x512x128xf32, #tpu.memory_space<vmem>>, vector<1x512x128xf32>,
    return
  }
  func.func @transform_0(%arg0: i32) -> i32 {
    %c0_i32 = arith.constant 0 : i32
    return %arg0 : i32
  }
  func.func @transform_1(%arg0: i32) -> (i32, i32) {
    %c0_i32 = arith.constant 0 : i32
    %c0_i32_0 = arith.constant 0 : i32
    %c0_i32_1 = arith.constant 0 : i32
    return %c0_i32, %c0_i32_0 : i32, i32
  }
  func.func @transform_2(%arg0: i32) -> i32 {
    %c0_i32 = arith.constant 0 : i32
    %c0_i32_0 = arith.constant 0 : i32
    return %c0_i32 : i32
  }
  func.func @transform_3(%arg0: i32) -> (i32, i32, i32) {
    %c0_i32 = arith.constant 0 : i32
    %c0_i32_0 = arith.constant 0 : i32
    %c0_i32_1 = arith.constant 0 : i32
    return %c0_i32, %arg0, %c0_i32_0 : i32, i32, i32
  }
}

module attributes {stable_mosaic.version = 14 : i64} {
  func.func @_table_body(%arg0: memref<1024x64xf32, #tpu.memory_space<vmem>>, %arg1: memref<64x64xf32, #tpu.memory_space<vmem>>, %arg2: memref<64xf32, #tpu.memory_space<vmem>>, %arg3: memref<64x128xf32, #tpu.memory_space<vmem>>, %arg4: memref<1024x128xbf16, #tpu.memory_space<vmem>>) attributes {dimension_semantics = [], scalar_prefetch = 0 : i64, scratch_operands = 0 : i64, tpu.core_type = #tpu.core_type<tc>} {
    %get3A = arith.constant 0 : index
    %get3A_0 = arith.constant 0 : index
    %get3A_1 = vector.load %arg0[%get3A, %get3A_0] : memref<1024x64xf32, #tpu.memory_space<vmem>>, vector<1024x64xf32>
    %get3A_2 = arith.constant 0 : index
    %get3A_3 = arith.constant 0 : index
    %get3A_4 = vector.load %arg1[%get3A_2, %get3A_3] : memref<64x64xf32, #tpu.memory_space<vmem>>, vector<64x64xf32>
    %dot_general3A = arith.constant dense<0.000000e+00> : vector<1024x64xf32>
    %dot_general3A_5 = tpu.matmul %get3A_1, %get3A_4, %dot_general3A {dimension_numbers = #tpu.dot_dimension_numbers<[1], [0], [0], [1], [0, 0, 1, 1], [], []>, transpose_lhs_hint = false} : vector<1024x64xf32>, vector<64x64xf32>, vector<1024x64xf32> -> vector<1024x64xf32>
    %get3A_6 = arith.constant 0 : index
    %get3A_7 = vector.load %arg2[%get3A_6] : memref<64xf32, #tpu.memory_space<vmem>>, vector<64xf32>
    %broadcast_in_dim3A = vector.shape_cast %get3A_7 : vector<64xf32> to vector<1x64xf32>
    %add3A = vector.broadcast %broadcast_in_dim3A : vector<1x64xf32> to vector<1024x64xf32>
    %add3A_8 = arith.addf %dot_general3A_5, %add3A : vector<1024x64xf32>
    %max3A = arith.constant 0.000000e+00 : f32
    %max3A_9 = vector.broadcast %max3A : f32 to vector<1024x64xf32>
    %max3A_10 = arith.maximumf %add3A_8, %max3A_9 : vector<1024x64xf32>
    %iota3A = tpu.iota {dimensions = array<i32: 0>} : vector<1024x1xi32>
    %eq3A = arith.constant 1 : i32
    %eq3A_11 = vector.broadcast %eq3A : i32 to vector<1024x1xi32>
    %eq3A_12 = arith.cmpi eq, %iota3A, %eq3A_11 : vector<1024x1xi32>
    %jit3A = arith.constant 0.000000e+00 : f32
    %broadcast_in_dim3A_13 = vector.shape_cast %eq3A_12 : vector<1024x1xi1> to vector<1024x1xi1>
    %broadcast_in_dim3A_14 = vector.broadcast %broadcast_in_dim3A_13 : vector<1024x1xi1> to vector<1024x64xi1>
    %broadcast_in_dim3A_15 = vector.broadcast %jit3A : f32 to vector<1024x64xf32>
    %select_n3A = arith.select %broadcast_in_dim3A_14, %broadcast_in_dim3A_15, %max3A_10 : vector<1024x64xi1>, vector<1024x64xf32>
    %get3A_16 = arith.constant 0 : index
    %get3A_17 = arith.constant 0 : index
    %get3A_18 = vector.load %arg3[%get3A_16, %get3A_17] : memref<64x128xf32, #tpu.memory_space<vmem>>, vector<64x128xf32>
    %dot_general3A_19 = arith.constant dense<0.000000e+00> : vector<1024x128xf32>
    %dot_general3A_20 = tpu.matmul %select_n3A, %get3A_18, %dot_general3A_19 {dimension_numbers = #tpu.dot_dimension_numbers<[1], [0], [0], [1], [0, 0, 1, 1], [], []>, transpose_lhs_hint = false} : vector<1024x64xf32>, vector<64x128xf32>, vector<1024x128xf32> -> vector<1024x128xf32>
    %convert_element_type3A = arith.truncf %dot_general3A_20 : vector<1024x128xf32> to vector<1024x128xbf16>
    %swap3A = arith.constant 0 : index
    %swap3A_21 = arith.constant 0 : index
    %swap3A_22 = vector.load %arg4[%swap3A, %swap3A_21] : memref<1024x128xbf16, #tpu.memory_space<vmem>>, vector<1024x128xbf16>
    tpu.vector_store %arg4[%swap3A, %swap3A_21], %convert_element_type3A {strides = array<i32>} : memref<1024x128xbf16, #tpu.memory_space<vmem>>, vector<1024x128xbf16>,
    return
  }
}

</mosaic_0001>

<sc_bundles>
// kernel: kernel.5.cloned.1.call-start
scs
__scs_entry_jumppad:
0x0: {  	(pc) =	sbr.rel $0x88, $3  }
0x1: {  	(tag) =	ssettag $0x0;
	lr =	simm.s32 $0x1  }
0x2: {  	[smem:$0x3F9A] =	sst lr;
	_ =	strace $0xD0000000  }
0x3: {  	_ = 	snop  }
0x4: {  	_ = 	snop  }
0x5: {  	_ = 	snop  }
0x6: {  	_ = 	snop  }
0x7: {  	_ = 	snop  }
__scs_overlays_trampoline_lowered:
0x8: {  	[smem:$0x3FA9] =	sst s0  }
0x9: {  	[smem:$0x3FAA] =	sst s1  }
0xa: {  	[smem:$0x3FAB] =	sst s2  }
0xb: {  	[smem:$0x3FAC] =	sst s3  }
0xc: {  	[smem:$0x3FAD] =	sst s4  }
0xd: {  	[smem:$0x3FAE] =	sst s5  }
0xe: {  	[smem:$0x3FAF] =	sst s6  }
0xf: {  	[smem:$0x3FB0] =	sst s7  }
0x10: {  	[smem:$0x3FB1] =	sst s8  }
0x11: {  	[smem:$0x3FB2] =	sst s9;
	s0 =	simm.s32 @!p0 $0x0  }
0x12: {  	s1 =	sld [smem:$0x3F98];
	s0 =	simm.s32 @p0 $0x1  }
0x13: {  	[smem:$0x3FB3] =	sst s0;
	s0 =	simm.s32 @!p1 $0x0  }
0x14: {  	s2 =	sld [smem:$0x3F97];
	s0 =	simm.s32 @p1 $0x1  }
0x15: {  	[smem:$0x3FB4] =	sst s0;
	s0 =	simm.s32 @!p2 $0x0  }
0x16: {  	s3 =	sld [smem:$0x3FDB];
	s0 =	simm.s32 @p2 $0x1  }
0x17: {  	s4 =	simm.s32 $0x1BF5;
	[smem:$0x3FB6] =	sst s0  }
0x18: {  	s0 =	sld [smem:$0x3F99];
	_ =	swait.ge [sflag:s4], $0x0  }
0x19: {  	s7 =	sld [smem:$0x3F9A]  }
0x1a: {  	s8 =	sadd.s32 $0xFFFFE003, lr  }
0x1b: {  	s9 =	sadd.s32 $0xFFFFFEF7, lr;
	s5 =	simm.s32 $0xFFFFFFFF;
	p2 =	slt.u32 s8, $0xFFFFF086  }
0x1c: {  	p1 =	slt.u32 s9, $0xF7A;
	s5 =	simm.s32 @!p2 $0x0  }
0x1d: {  	s5 =	simm.s32 @p1 $0x1;
	p0 =	seq.s32 s7, s2  }
0x1e: {  	s7 =	smul.u32 @!p0 $0xF7A, s2;
	p2 =	seq.s32 @!p0 s5, $0x0  }
0x1f: {  	s9 =	smul.u32 $0xF7A, s1;
	s8 =	simm.s32 @!p0 $0x1BF5;
	p2 =	por !p2, p0  }
0x20: {  	[sflag:s8] =	ssyncset.s32 @!p0 $0xFFFFF086;
	s6 =	sadd.s32 @!p0 s3, s7;
	s7 =	simm.s32 @!p0 $0x108  }
0x21: {  	s3 =	sadd.s32 s3, s9;
	s6 =	sadd.s32 @!p0 $0x88, s6;
	s7 =	simm.s32 @p2 $0x1082  }
0x22: {  	[simem:s7], [sflag:s8] =	dma.local @!p0 [hbm:s6], $0xF7A  }
0x23: {  	s9 =	sor.u32 $0xD0000000, s2;
	s6 =	simm.s32 $0x108;
	_ =	swait.ge @!p0 [sflag:s8], $0x0  }
0x24: {  	s3 =	sadd.s32 $0x88, s3;
	s6 =	simm.s32 @!p1 $0x1082;
	[sflag:s4] =	ssyncset.s32 $0xFFFFF086  }
0x25: {  	[simem:s6], [sflag:s4] =	dma.local [hbm:s3], $0xF7A  }
0x26: {  	[smem:$0x3F9A] =	sst s1;
	(tag) =	ssettag s2;
	_ =	strace s9  }
0x27: {  	s1 =	sld [smem:$0x3FAA]  }
0x28: {  	s2 =	sld [smem:$0x3FAB]  }
0x29: {  	s4 =	sld [smem:$0x3FAD]  }
0x2a: {  	p0 =	seq.s32 s5, $0x0;
	s5 =	sld [smem:$0x3FAE]  }
0x2b: {  	s6 =	sld [smem:$0x3FAF]  }
0x2c: {  	s7 =	sld [smem:$0x3FB0]  }
0x2d: {  	s3 =	simm.s32 $0x108;
	s8 =	sld [smem:$0x3FB1]  }
0x2e: {  	s3 =	simm.s32 @!p0 $0x1082;
	s9 =	sld [smem:$0x3FB2]  }
0x2f: {  	lr =	sadd.s32 s0, s3;
	s0 =	sld [smem:$0x3FA9]  }
0x30: {  	s3 =	sld [smem:$0x3FAC]  }
0x31: {  	[smem:$0x3FB5] =	sst s10  }
0x32: {  	s10 =	sld [smem:$0x3FB3];
	_ =	sdelay $0x3  }
0x33: {  	p0 =	seq.s32 s10, $0x1;
	s10 =	sld [smem:$0x3FB5];
	_ =	sdelay $0x3  }
0x34: {  	[smem:$0x3FB5] =	sst s10  }
0x35: {  	s10 =	sld [smem:$0x3FB4];
	_ =	sdelay $0x3  }
0x36: {  	p1 =	seq.s32 s10, $0x1;
	s10 =	sld [smem:$0x3FB5];
	_ =	sdelay $0x3  }
0x37: {  	[smem:$0x3FB5] =	sst s10  }
0x38: {  	s10 =	sld [smem:$0x3FB6]  }
0x39: {  	_ = 	snop;
	(pc) =	sbr.ind lr, $3  }
0x3a: {  	_ = 	snop  }
0x3b: {  	_ = 	snop  }
0x3c: {  	p2 =	seq.s32 s10, $0x1;
	s10 =	sld [smem:$0x3FB5]  }
0x3d: {  	_ =	shalt  }
0x3e: {  	_ =	shalt  }
0x3f: {  	_ =	shalt  }
0x40: {  	_ =	shalt  }
0x41: {  	_ =	shalt  }
0x42: {  	_ =	shalt  }
0x43: {  	_ =	shalt  }
0x44: {  	_ =	shalt  }
0x45: {  	_ =	shalt  }
0x46: {  	_ =	shalt  }
0x47: {  	_ =	shalt  }
0x48: {  	_ =	shalt  }
0x49: {  	_ =	shalt  }
0x4a: {  	_ =	shalt  }
0x4b: {  	_ =	shalt  }
0x4c: {  	_ =	shalt  }
0x4d: {  	_ =	shalt  }
0x4e: {  	_ =	shalt  }
0x4f: {  	_ =	shalt  }
0x50: {  	_ =	shalt  }
0x51: {  	_ =	shalt  }
0x52: {  	_ =	shalt  }
0x53: {  	_ =	shalt  }
0x54: {  	_ =	shalt  }
0x55: {  	_ =	shalt  }
0x56: {  	_ =	shalt  }
0x57: {  	_ =	shalt  }
0x58: {  	_ =	shalt  }
0x59: {  	_ =	shalt  }
0x5a: {  	_ =	shalt  }
0x5b: {  	_ =	shalt  }
0x5c: {  	_ =	shalt  }
0x5d: {  	_ =	shalt  }
0x5e: {  	_ =	shalt  }
0x5f: {  	_ =	shalt  }
0x60: {  	_ =	shalt  }
0x61: {  	_ =	shalt  }
0x62: {  	_ =	shalt  }
0x63: {  	_ =	shalt  }
0x64: {  	_ =	shalt  }
0x65: {  	_ =	shalt  }
0x66: {  	_ =	shalt  }
0x67: {  	_ =	shalt  }
0x68: {  	_ =	shalt  }
0x69: {  	_ =	shalt  }
0x6a: {  	_ =	shalt  }
0x6b: {  	_ =	shalt  }
0x6c: {  	_ =	shalt  }
0x6d: {  	_ =	shalt  }
0x6e: {  	_ =	shalt  }
0x6f: {  	_ =	shalt  }
0x70: {  	_ =	shalt  }
0x71: {  	_ =	shalt  }
0x72: {  	_ =	shalt  }
0x73: {  	_ =	shalt  }
0x74: {  	_ =	shalt  }
0x75: {  	_ =	shalt  }
0x76: {  	_ =	shalt  }
0x77: {  	_ =	shalt  }
0x78: {  	_ =	shalt  }
0x79: {  	_ =	shalt  }
0x7a: {  	_ =	shalt  }
0x7b: {  	_ =	shalt  }
0x7c: {  	_ =	shalt  }
0x7d: {  	_ =	shalt  }
0x7e: {  	_ =	shalt  }
0x7f: {  	_ =	shalt  }
0x80: {  	_ =	shalt  }
0x81: {  	_ =	shalt  }
0x82: {  	_ =	shalt  }
0x83: {  	_ =	shalt  }
0x84: {  	_ =	shalt  }
0x85: {  	_ =	shalt  }
0x86: {  	_ =	shalt  }
0x87: {  	_ =	shalt  }
.Lfunc_end0:
.L_simem_size_0:
called_computation_lowered:
.L_overlay_start_0:
0x88: {  	s2 =	sld [smem:$0x3FD9]  }
0x89: {  	s3 =	sld [smem:$0x3FFE];
	_ =	sdelay $0x1  }
0x8a: {  	s1 =	srdreg.scid  }
0x8b: {  	s0 =	sand.u32 $0x1, s1  }
0x8c: {  	s17 =	sshll.u32 s0, $0xA;
	s2 =	sadd.s32 s3, s2  }
0x8d: {  	s2 =	sadd.s32 s2, s17  }
0x8e: {  	[smem:$0x3FC1] =	sst s2  }
0x8f: {  	_ = 	snop  }
0x90: {  	s2 =	sld [smem:$0x3FC8]  }
0x91: {  	s18 =	sld [smem:$0x3FD0];
	(tm) =	ssettm $0x1  }
0x92: {  	s4 =	sld [smem:$0x3FFB];
	_ =	sdelay $0x3  }
0x93: {  	_ =	strace s4  }
0x94: {  	s4 =	sld [smem:$0x3FFC];
	_ =	sdelay $0x3  }
0x95: {  	_ =	strace s4  }
0x96: {  	s4 =	sld [smem:$0x3FFD];
	_ =	sdelay $0x3  }
0x97: {  	_ =	strace s4  }
0x98: {  	_ =	strace $0x8FFFFFFF  }
0x99: {  	s19 =	sld [smem:$0x3FDB];
	_ =	sdelay $0x1  }
0x9a: {  	s5 =	simm.s32 $_scs_section_size  }
0x9b: {  	s6 =	simm.s32 $_size__tile_overlayer_lowered;
	s7 =	simm.s32 $_tile_overlayer_lowered  }
0x9c: {  	s22 =	simm.s32 $0x1BFF;
	s21 =	sshll.u32 s7, $0x1;
	s4 =	sadd.s32 s5, s19  }
0x9d: {  	s8 =	simm.s32 $0x0;
	s20 =	sshll.u32 s6, $0x1;
	s6 =	sadd.s32 s21, s4  }
0x9e: {  	[timem:s8], [sflag:s22] =	dma.local [hbm:s6], s20  }
0x9f: {  	_ =	swait.ge [sflag:s22], s20  }
0xa0: {  	s5 =	ssub.s32 $0x0, s20;
	[sflag:s22] =	ssyncset.done $0x0  }
0xa1: {  	[sflag:s22] =	ssyncadd.s32 s5;
	_ =	sdelay $0x1  }
0xa2: {  	s23 =	simm.s32 $0x1B8B  }
0xa3: {  	_ =	swait.ge [sflag:s23], $0x1  }
0xa4: {  	[sflag:s23] =	ssyncset.done $0x0  }
0xa5: {  	s25 =	simm.s32 $0x1B8E;
	s24 =	sld [smem:$0x3FFE];
	[sflag:s23] =	ssyncadd.s32 $0xFFFFFFFF  }
0xa6: {  	s26 =	simm.s32 $execute0_lowered;
	[smem:$0x3FD2] =	sst s25  }
0xa7: {  	s6 =	sshll.u32 s26, $0x1;
	_ =	strace $0x80000046;
	[dreg:$0x1] =	wrdreg $0xFFFFFFFF  }
0xa8: {  	s28 =	simm.s32 $_size_execute0_lowered;
	s4 =	sadd.s32 s4, s6;
	[dreg:$0x0] =	wrdreg $0x0  }
0xa9: {  	s6 =	sshll.u32 s28, $0x1;
	[dreg:$0x2] =	wrdreg s4  }
0xaa: {  	[dreg:$0x3] =	wrdreg s6  }
0xab: {  	[dreg:$0x4] =	wrdreg $0xC0  }
0xac: {  	_ =	task [dreg:s8], $0x5FFFF  }
0xad: {  	[dreg:$0x1] =	wrdreg $0xFFFFFFFF  }
0xae: {  	[dreg:$0x0] =	wrdreg $0x60  }
0xaf: {  	[dreg:$0x2] =	wrdreg s18  }
0xb0: {  	[dreg:$0x3] =	wrdreg s2  }
0xb1: {  	[dreg:$0x4] =	wrdreg s24  }
0xb2: {  	[dreg:$0x5] =	wrdreg $0x9  }
0xb3: {  	_ =	task.clear_ibuf [dreg:s8], $0x6FFFF;
	_ =	strace $0x90000046  }
0xb4: {  	s29 =	simm.s32 $0x9;
	_ =	strace $0x80000048  }
0xb5: {  	_ =	swait.ge [sflag:s29], $0x1  }
0xb6: {  	[sflag:s29] =	ssyncadd.s32 $0xFFFFFFFF  }
0xb7: {  	_ =	strace $0x90000048  }
0xb8: {  	_ =	sfence  }
0xb9: {  	s30 =	sld [smem:$0x0];
	_ =	sdelay $0x2  }
0xba: {  	s31 =	sshll.u32 s1, $0xD;
	s1 =	sshrl.u32 s1, $0x2  }
0xbb: {  	s3 =	sand.u32 $0x4000, s31;
	s1 =	sadd.s32 s1, s30  }
0xbc: {  	s0 =	sor.u32 s3, s0;
	s1 =	sshll.u32 s1, $0x11  }
0xbd: {  	s0 =	sor.u32 s1, s0  }
0xbe: {  	s0 =	sadd.s32 $0x8F2B, s0  }
0xbf: {  	[sflag:s0] =	ssyncadd.remote.s32 $0x1  }
0xc0: {  	_ =	sfence.sel $0xFFFF  }
0xc1: {  	[dreg:$0x0] =	wrdreg $0xFFFFFFFF;
	(pc) =	sbr.abs _section_cstart, $3  }
0xc2: {  	[dreg:$0x1] =	wrdreg $0xFFFFFFFF  }
0xc3: {  	_ =	task.clear_ibuf [dreg:s8], $0x2FFFF;
	_ =	strace $0x9FFFFFFF  }
0xc4: {  	(tm) =	ssettm $0x7FFFFFFF  }
0xc5: {  	_ =	shalt  }
tec
execute0_lowered:
.L_overlay_start_1:
0x0: {  	(tag) =	ssettag $0x1  }
0x1: {  	s1 =	rddreg [dreg:$0x0]  }
0x2: {  	s4 =	rddreg [dreg:$0x1]  }
0x3: {  	s5 =	rddreg [dreg:$0x2]  }
0x4: {  	s0 =	rddreg [dreg:$0x3];
	s6 =	srdreg.scid  }
0x5: {  	s2 =	stileid.u32;
	s3 =	simm.s32 $0x0;
	s13 =	simm.s32 $0x4  }
0x6: {  	s14 =	simm.s32 $0x80;
	s15 =	simm.s32 $0x100;
	s16 =	simm.s32 $0x180  }
0x7: {  	s17 =	simm.s32 $0x200;
	s18 =	simm.s32 $0x1;
	s19 =	simm.s32 $0xA00  }
0x8: {  	s20 =	simm.s32 $0x1200;
	s21 =	simm.s32 $0x1A00;
	s22 =	simm.s32 $0x2200  }
0x9: {  	s23 =	simm.s32 $0xA200;
	s24 =	simm.s32 $0x2;
	s25 =	simm.s32 $0x3  }
0xa: {  	s6 =	sand.u32 $0x1, s6;
	s7 =	sshll.u32 s2, $0x1;
	[smem:$0x7FF] =	sst s3  }
0xb: {  	s26 =	simm.s32 $0x0;
	s7 =	sor.u32 s6, s7;
	_ =	strace $0x80000047  }
0xc: {  	s6 =	ssub.s32 $0x2, s6;
	s8 =	sshll.u32 s7, $0x4;
	s7 =	sshll.u32 s7, $0xE  }
0xd: {  	s9 =	sshrl.u32 s6, $0x1;
	s4 =	sadd.s32 s4, s8;
	s11 =	sadd.s32 s7, s5  }
0xe: {  	s12 =	ssub.s32 s6, s9;
	s5 =	sadd.s32 $0x200, s4;
	s6 =	sadd.s32 $0x400, s4  }
0xf: {  	v0 =	vimm.f32 $0.0e+00;
	v1 =	vimm.f32 $1.000000000e+00;
	s7 =	sadd.s32 $0x600, s4;
	s8 =	sadd.s32 $0x1000, s11;
	s9 =	sadd.s32 $0x2000, s11  }
0x10: {  	v2 =	vimm.f32 $6.400000000e+01;
	v3 =	vimm.f32 $4.096000000e+03;
	v4 =	vimm.f32 $2.621440000e+05;
	s10 =	sadd.s32 $0x3000, s11;
	s11 =	sadd.s32 $0x4000, s11;
	s12 =	smax.u32 s12, $0x1  }
.LBB2_1:
0x11: {  	[tilespmem:s3], [sflag:$0x4] =	stream.linear.gather [hbm4b:s4+s3], $0x80, $0x38;
	[tilespmem:$0x12200] =	vst v63  }
0x12: {  	_ =	swait.ge [sflag:s13], $0x80  }
0x13: {  	[sflag:s13] =	ssyncset.done $0x0  }
0x14: {  	[sflag:s13] =	ssyncadd.s32 $0xFFFFFF80  }
0x15: {  	[tilespmem:s14], [sflag:$0x4] =	stream.linear.gather [hbm4b:s5+s3], $0x80, $0x38;
	[tilespmem:$0x12200] =	vst v63  }
0x16: {  	_ =	swait.ge [sflag:s13], $0x80  }
0x17: {  	[sflag:s13] =	ssyncset.done $0x0  }
0x18: {  	[sflag:s13] =	ssyncadd.s32 $0xFFFFFF80  }
0x19: {  	[tilespmem:s15], [sflag:$0x4] =	stream.linear.gather [hbm4b:s6+s3], $0x80, $0x38;
	[tilespmem:$0x12200] =	vst v63  }
0x1a: {  	_ =	swait.ge [sflag:s13], $0x80  }
0x1b: {  	[sflag:s13] =	ssyncset.done $0x0  }
0x1c: {  	[sflag:s13] =	ssyncadd.s32 $0xFFFFFF80  }
0x1d: {  	[tilespmem:s16], [sflag:$0x4] =	stream.linear.gather [hbm4b:s7+s3], $0x80, $0x38;
	[tilespmem:$0x12200] =	vst v63  }
0x1e: {  	_ =	swait.ge [sflag:s13], $0x80  }
0x1f: {  	[sflag:s13] =	ssyncset.done $0x0  }
0x20: {  	[sflag:s13] =	ssyncadd.s32 $0xFFFFFF80  }
0x21: {  	[tilespmem:s17], [sflag:$0x1] =	stream.indirect.gather [hbm4b:s1+s14], $0x10, s3, s14, $0xb8;
	[tilespmem:$0x12200] =	vst v63  }
0x22: {  	_ =	swait.ge [sflag:s18], $0x800  }
0x23: {  	[sflag:s18] =	ssyncset.done $0x0  }
0x24: {  	[sflag:s18] =	ssyncadd.s32 $0xFFFFF800  }
0x25: {  	[tilespmem:s19], [sflag:$0x1] =	stream.indirect.gather [hbm4b:s1+s14], $0x10, s14, s14, $0xb8;
	[tilespmem:$0x12200] =	vst v63  }
0x26: {  	_ =	swait.ge [sflag:s18], $0x800  }
0x27: {  	[sflag:s18] =	ssyncset.done $0x0  }
0x28: {  	[sflag:s18] =	ssyncadd.s32 $0xFFFFF800  }
0x29: {  	[tilespmem:s20], [sflag:$0x1] =	stream.indirect.gather [hbm4b:s1+s14], $0x10, s15, s14, $0xb8;
	[tilespmem:$0x12200] =	vst v63  }
0x2a: {  	_ =	swait.ge [sflag:s18], $0x800  }
0x2b: {  	[sflag:s18] =	ssyncset.done $0x0  }
0x2c: {  	[sflag:s18] =	ssyncadd.s32 $0xFFFFF800  }
0x2d: {  	[tilespmem:s21], [sflag:$0x1] =	stream.indirect.gather [hbm4b:s1+s14], $0x10, s16, s14, $0xb8;
	[tilespmem:$0x12200] =	vst v63  }
0x2e: {  	_ =	swait.ge [sflag:s18], $0x800  }
0x2f: {  	[sflag:s18] =	ssyncset.done $0x0  }
0x30: {  	s28 =	simm.s32 $0x0;
	[sflag:s18] =	ssyncadd.s32 $0xFFFFF800  }
.LBB2_2:
0x31: {  	p0 =	sne.s32 s28, $0x1FFC0  }
.Ltmp0:
0x32: {  	_ = 	snop;
	(pc) =	sbr.rel @p0 .LBB2_2-.Ltmp0, $4  }
0x33: {  	_ = 	snop  }
0x34: {  	s29 =	sshra.s32 s28, $0x2  }
0x35: {  	[tilespmem:s29+$0x2200] =	vst v0  }
0x36: {  	s28 =	sadd.s32 $0x40, s28;
	[tilespmem:s29+$0xA200] =	vst v0  }
0x37: {  	s28 =	simm.s32 $0x0;
	s29 =	simm.s32 $0x1200  }
.LBB2_4:
0x38: {  	v5 =	vld [tilespmem:s29+$0xFFFFF000];
	_ =	sdelay $0x4  }
0x39: {  	v5 =	vadd.s32 s28, v5;
	_ =	sdelay $0x4  }
0x3a: {  	[tilespmem:v5+s22+$0x0] =	vst.idx.add.f32.msk $0xffff, v1  }
0x3b: {  	v5 =	vld [tilespmem:s29+$0xFFFFF800];
	_ =	sdelay $0x4  }
0x3c: {  	v5 =	vadd.s32 s28, v5;
	_ =	sdelay $0x4  }
0x3d: {  	[tilespmem:v5+s22+$0x0] =	vst.idx.add.f32.msk $0xffff, v2  }
0x3e: {  	v5 =	vld [tilespmem:s29+$0x0];
	_ =	sdelay $0x4  }
0x3f: {  	v5 =	vadd.s32 s28, v5;
	_ =	sdelay $0x4  }
0x40: {  	[tilespmem:v5+s22+$0x0] =	vst.idx.add.f32.msk $0xffff, v3  }
0x41: {  	v5 =	vld [tilespmem:s29+$0x800];
	_ =	sdelay $0x4  }
0x42: {  	p0 =	sne.s32 s28, $0x7C00;
	v5 =	vadd.s32 s28, v5  }
.Ltmp1:
0x43: {  	_ = 	snop;
	(pc) =	sbr.rel @p0 .LBB2_4-.Ltmp1, $2  }
0x44: {  	_ =	sdelay $0x2  }
0x45: {  	s29 =	sadd.s32 $0x10, s29;
	s28 =	sadd.s32 $0x400, s28;
	[tilespmem:v5+s22+$0x0] =	vst.idx.add.f32.msk $0xffff, v4  }
0x46: {  	s28 =	simm.s32 $0x0;
	s29 =	simm.s32 $0x1400  }
0x47: {  	[hbm4b:s8+s28] =	stream.linear.scatter [tilespmem:s22], [sflag:$0x2], $0x8000, $0x38;
	[tilespmem:$0x12200] =	vst v63  }
.LBB2_6:
0x48: {  	v5 =	vld [tilespmem:s29+$0xFFFFF000];
	_ =	sdelay $0x4  }
0x49: {  	v5 =	vadd.s32 s28, v5;
	_ =	sdelay $0x4  }
0x4a: {  	[tilespmem:v5+s23+$0x0] =	vst.idx.add.f32.msk $0xffff, v1  }
0x4b: {  	v5 =	vld [tilespmem:s29+$0xFFFFF800];
	_ =	sdelay $0x4  }
0x4c: {  	v5 =	vadd.s32 s28, v5;
	_ =	sdelay $0x4  }
0x4d: {  	[tilespmem:v5+s23+$0x0] =	vst.idx.add.f32.msk $0xffff, v2  }
0x4e: {  	v5 =	vld [tilespmem:s29+$0x0];
	_ =	sdelay $0x4  }
0x4f: {  	v5 =	vadd.s32 s28, v5;
	_ =	sdelay $0x4  }
0x50: {  	[tilespmem:v5+s23+$0x0] =	vst.idx.add.f32.msk $0xffff, v3  }
0x51: {  	v5 =	vld [tilespmem:s29+$0x800];
	_ =	sdelay $0x4  }
0x52: {  	p0 =	sne.s32 s28, $0x7C00;
	v5 =	vadd.s32 s28, v5  }
.Ltmp2:
0x53: {  	_ = 	snop;
	(pc) =	sbr.rel @p0 .LBB2_6-.Ltmp2, $2  }
0x54: {  	_ =	sdelay $0x2  }
0x55: {  	s29 =	sadd.s32 $0x10, s29;
	s28 =	sadd.s32 $0x400, s28;
	[tilespmem:v5+s23+$0x0] =	vst.idx.add.f32.msk $0xffff, v4  }
0x56: {  	s28 =	simm.s32 $0x0  }
0x57: {  	[hbm4b:s9+s28] =	stream.linear.scatter [tilespmem:s23], [sflag:$0x3], $0x8000, $0x38;
	[tilespmem:$0x12200] =	vst v63  }
0x58: {  	_ =	swait.ge [sflag:s24], $0x8000  }
0x59: {  	[sflag:s24] =	ssyncset.done $0x0  }
0x5a: {  	s29 =	simm.s32 $0x1200;
	s30 =	simm.s32 $0x0;
	[sflag:s24] =	ssyncadd.s32 $0xFFFF8000  }
.LBB2_8:
0x5b: {  	v5 =	vld [tilespmem:s29+$0xFFFFF000];
	_ =	sdelay $0x4  }
0x5c: {  	v5 =	vadd.s32 s30, v5;
	_ =	sdelay $0x4  }
0x5d: {  	[tilespmem:v5+s22+$0x0] =	vst.idx.msk $0xffff, v0  }
0x5e: {  	v5 =	vld [tilespmem:s29+$0xFFFFF800];
	_ =	sdelay $0x4  }
0x5f: {  	v5 =	vadd.s32 s30, v5;
	_ =	sdelay $0x4  }
0x60: {  	[tilespmem:v5+s22+$0x0] =	vst.idx.msk $0xffff, v0  }
0x61: {  	v5 =	vld [tilespmem:s29+$0x0];
	_ =	sdelay $0x4  }
0x62: {  	v5 =	vadd.s32 s30, v5;
	_ =	sdelay $0x4  }
0x63: {  	[tilespmem:v5+s22+$0x0] =	vst.idx.msk $0xffff, v0  }
0x64: {  	v5 =	vld [tilespmem:s29+$0x800];
	_ =	sdelay $0x4  }
0x65: {  	p0 =	sne.s32 s30, $0x7C00;
	v5 =	vadd.s32 s30, v5  }
.Ltmp3:
0x66: {  	_ = 	snop;
	(pc) =	sbr.rel @p0 .LBB2_8-.Ltmp3, $2  }
0x67: {  	_ =	sdelay $0x2  }
0x68: {  	s29 =	sadd.s32 $0x10, s29;
	s30 =	sadd.s32 $0x400, s30;
	[tilespmem:v5+s22+$0x0] =	vst.idx.msk $0xffff, v0  }
0x69: {  	s29 =	simm.s32 $0x1600  }
.LBB2_10:
0x6a: {  	v5 =	vld [tilespmem:s29+$0xFFFFF000];
	_ =	sdelay $0x4  }
0x6b: {  	v5 =	vadd.s32 s28, v5;
	_ =	sdelay $0x4  }
0x6c: {  	[tilespmem:v5+s22+$0x0] =	vst.idx.add.f32.msk $0xffff, v1  }
0x6d: {  	v5 =	vld [tilespmem:s29+$0xFFFFF800];
	_ =	sdelay $0x4  }
0x6e: {  	v5 =	vadd.s32 s28, v5;
	_ =	sdelay $0x4  }
0x6f: {  	[tilespmem:v5+s22+$0x0] =	vst.idx.add.f32.msk $0xffff, v2  }
0x70: {  	v5 =	vld [tilespmem:s29+$0x0];
	_ =	sdelay $0x4  }
0x71: {  	v5 =	vadd.s32 s28, v5;
	_ =	sdelay $0x4  }
0x72: {  	[tilespmem:v5+s22+$0x0] =	vst.idx.add.f32.msk $0xffff, v3  }
0x73: {  	v5 =	vld [tilespmem:s29+$0x800];
	_ =	sdelay $0x4  }
0x74: {  	p0 =	sne.s32 s28, $0x7C00;
	v5 =	vadd.s32 s28, v5  }
.Ltmp4:
0x75: {  	_ = 	snop;
	(pc) =	sbr.rel @p0 .LBB2_10-.Ltmp4, $2  }
0x76: {  	_ =	sdelay $0x2  }
0x77: {  	s29 =	sadd.s32 $0x10, s29;
	s28 =	sadd.s32 $0x400, s28;
	[tilespmem:v5+s22+$0x0] =	vst.idx.add.f32.msk $0xffff, v4  }
0x78: {  	s28 =	simm.s32 $0x0  }
0x79: {  	[hbm4b:s10+s28] =	stream.linear.scatter [tilespmem:s22], [sflag:$0x2], $0x8000, $0x38;
	[tilespmem:$0x12200] =	vst v63  }
0x7a: {  	_ =	swait.ge [sflag:s25], $0x8000  }
0x7b: {  	[sflag:s25] =	ssyncset.done $0x0  }
0x7c: {  	s29 =	simm.s32 $0x1400;
	s30 =	simm.s32 $0x0;
	[sflag:s25] =	ssyncadd.s32 $0xFFFF8000  }
.LBB2_12:
0x7d: {  	v5 =	vld [tilespmem:s29+$0xFFFFF000];
	_ =	sdelay $0x4  }
0x7e: {  	v5 =	vadd.s32 s30, v5;
	_ =	sdelay $0x4  }
0x7f: {  	[tilespmem:v5+s23+$0x0] =	vst.idx.msk $0xffff, v0  }
0x80: {  	v5 =	vld [tilespmem:s29+$0xFFFFF800];
	_ =	sdelay $0x4  }
0x81: {  	v5 =	vadd.s32 s30, v5;
	_ =	sdelay $0x4  }
0x82: {  	[tilespmem:v5+s23+$0x0] =	vst.idx.msk $0xffff, v0  }
0x83: {  	v5 =	vld [tilespmem:s29+$0x0];
	_ =	sdelay $0x4  }
0x84: {  	v5 =	vadd.s32 s30, v5;
	_ =	sdelay $0x4  }
0x85: {  	[tilespmem:v5+s23+$0x0] =	vst.idx.msk $0xffff, v0  }
0x86: {  	v5 =	vld [tilespmem:s29+$0x800];
	_ =	sdelay $0x4  }
0x87: {  	p0 =	sne.s32 s30, $0x7C00;
	v5 =	vadd.s32 s30, v5  }
.Ltmp5:
0x88: {  	_ = 	snop;
	(pc) =	sbr.rel @p0 .LBB2_12-.Ltmp5, $2  }
0x89: {  	_ =	sdelay $0x2  }
0x8a: {  	s29 =	sadd.s32 $0x10, s29;
	s30 =	sadd.s32 $0x400, s30;
	[tilespmem:v5+s23+$0x0] =	vst.idx.msk $0xffff, v0  }
0x8b: {  	s29 =	simm.s32 $0x1800  }
.LBB2_14:
0x8c: {  	v5 =	vld [tilespmem:s29+$0xFFFFF000];
	_ =	sdelay $0x4  }
0x8d: {  	v5 =	vadd.s32 s28, v5;
	_ =	sdelay $0x4  }
0x8e: {  	[tilespmem:v5+s23+$0x0] =	vst.idx.add.f32.msk $0xffff, v1  }
0x8f: {  	v5 =	vld [tilespmem:s29+$0xFFFFF800];
	_ =	sdelay $0x4  }
0x90: {  	v5 =	vadd.s32 s28, v5;
	_ =	sdelay $0x4  }
0x91: {  	[tilespmem:v5+s23+$0x0] =	vst.idx.add.f32.msk $0xffff, v2  }
0x92: {  	v5 =	vld [tilespmem:s29+$0x0];
	_ =	sdelay $0x4  }
0x93: {  	v5 =	vadd.s32 s28, v5;
	_ =	sdelay $0x4  }
0x94: {  	[tilespmem:v5+s23+$0x0] =	vst.idx.add.f32.msk $0xffff, v3  }
0x95: {  	v5 =	vld [tilespmem:s29+$0x800];
	_ =	sdelay $0x4  }
0x96: {  	p0 =	sne.s32 s28, $0x7C00;
	v5 =	vadd.s32 s28, v5  }
.Ltmp6:
0x97: {  	_ = 	snop;
	(pc) =	sbr.rel @p0 .LBB2_14-.Ltmp6, $2  }
0x98: {  	_ =	sdelay $0x2  }
0x99: {  	s29 =	sadd.s32 $0x10, s29;
	s28 =	sadd.s32 $0x400, s28;
	[tilespmem:v5+s23+$0x0] =	vst.idx.add.f32.msk $0xffff, v4  }
0x9a: {  	[hbm4b:s11+s3] =	stream.linear.scatter [tilespmem:s23], [sflag:$0x3], $0x8000, $0x38;
	[tilespmem:$0x12200] =	vst v63  }
0x9b: {  	s26 =	sadd.s32 $0x1, s26  }
0x9c: {  	_ =	swait.ge [sflag:s24], $0x8000;
	p0 =	sne.s32 s26, s12  }
.Ltmp7:
0x9d: {  	[sflag:s24] =	ssyncset.done $0x0;
	(pc) =	sbr.rel @p0 .LBB2_1-.Ltmp7, $4  }
0x9e: {  	[sflag:s24] =	ssyncadd.s32 $0xFFFF8000  }
0x9f: {  	_ =	swait.ge [sflag:s25], $0x8000  }
0xa0: {  	[sflag:s25] =	ssyncset.done $0x0  }
0xa1: {  	[sflag:s25] =	ssyncadd.s32 $0xFFFF8000  }
0xa2: {  	_ =	sfence.sel $0x180000  }
0xa3: {  	[bflag:$0x0] =	sbarrier.arrive $0xFFFF  }
0xa4: {  	p0 =	sne.s32 s2, $0x0;
	_ =	strace $0x90000047  }
0xa5: {  	s0 =	sadd.s32 @!p0 $0x100000, s0;
	[bflag:$0x2] =	sbarrier.arrive $0xFFFF  }
0xa6: {  	[sflag:s0] =	ssyncadd.tile.s32 @!p0 $0x1;
	_ =	shalt  }
.Lfunc_end2:
_tile_overlayer_lowered:
.L_overlay_start_2:
0xa7: {  	(tag) =	ssettag $0x2  }
0xa8: {  	s0 =	rddreg [dreg:$0x0];
	s2 =	stileid.u32  }
0xa9: {  	s1 =	rddreg [dreg:$0x1];
	p0 =	sne.s32 s2, $0x0  }
0xaa: {  	s3 =	rddreg [dreg:$0x2];
	[bflag:$0x3] =	sbarrier.arrive $0xFFFF;
	s2 =	simm.s32 @!p0 $0x1C04  }
0xab: {  	[timem:s3], [sflag:s2] =	dma.local @!p0 [hbm:s0], s1  }
0xac: {  	s0 =	simm.s32 @!p0 $0x4  }
0xad: {  	_ =	swait.ge @!p0 [sflag:s0], s1  }
0xae: {  	s1 =	ssub.s32 @!p0 $0x0, s1;
	[sflag:s0] =	ssyncset.done @!p0 $0x0  }
0xaf: {  	[sflag:s0] =	ssyncadd.s32 @!p0 s1  }
0xb0: {  	[bflag:$0x3] =	sbarrier.arrive $0xFFFF  }
0xb1: {  	_ =	shalt  }

</sc_bundles>
